<compile_context>
chip_gen: v7x
topology: tpu7x:2x2x1
jax: 0.10.2.dev20260603
libtpu: 0.0.44.dev20260713+nightly
codegen_flags: <defaults>
</compile_context>

<pallas_src>
import functools

import jax
import jax.numpy as jnp
from jax import lax
from jax.experimental import pallas as pl
from jax.experimental.pallas import tpu as pltpu
from jax.experimental.pallas import tpu_sc as plsc

_C0 = 0.7978845608028654
_CA = 0.044715 * _C0
_STEP = 0.1
_CHUNK = 128
_L = 16
_ROWS = 8
_H = 512


def _tc_body(feat_ref, w1_ref, b1_ref, w2_ref, mask_ref, out_ref):
    f32 = jnp.float32
    w1m = w1_ref[0:768, :]
    wl = w1_ref[768:769, :]
    v = w2_ref[...] * wl
    hv = 0.5 * v
    wlv = wl * v
    c0 = b1_ref[...] + 0.5 * wl

    F = jnp.dot(feat_ref[...], w1m, preferred_element_type=f32)
    bf = jnp.bfloat16
    red1 = None
    red2 = None
    for k in range(768 // _CHUNK):
        sl = slice(k * _CHUNK, (k + 1) * _CHUNK)
        x = (F[:, sl] + c0[:, sl]).astype(bf)
        x2 = x * x
        t1 = bf(_CA) * x2 + bf(_C0)
        r = bf(3.0) * t1 - bf(2.0 * _C0)
        t = jnp.tanh(x * t1)
        s = bf(1.0) - t * t
        xsr = (x * s) * r
        a1 = jnp.sum((hv[:, sl].astype(bf) * (t + xsr)).astype(jnp.float32), axis=1, keepdims=True)
        g2 = s * ((bf(2.0) * r - bf(_C0)) - (x * t) * (r * r))
        a2 = jnp.sum((wlv[:, sl].astype(bf) * g2).astype(jnp.float32), axis=1, keepdims=True)
        red1 = a1 if red1 is None else red1 + a1
        red2 = a2 if red2 is None else red2 + a2

    sv = 0.5 * jnp.sum(v, axis=1, keepdims=True)
    d1 = red1 + sv
    m = mask_ref[...].astype(f32)
    p1 = (-_STEP * 0.25) * m * d1
    s2 = jax.nn.sigmoid(p1)
    d2 = d1 + (s2 - 0.5) * red2
    p2 = p1 - _STEP * (m * s2 * (1.0 - s2) * d2)
    rows = jnp.transpose(jnp.concatenate([p1, p2], axis=1), (1, 0))
    out_ref[...] = rows


def _lane_allreduce(x, op, buf):
    iota = lax.iota(jnp.int32, _L)
    for k in (1, 2, 4, 8):
        buf[...] = x
        y = plsc.load_gather(buf, [jnp.bitwise_xor(iota, k)])
        x = op(x, y)
    return x


def _sc_softmax(logits_hbm, mask_hbm, out_hbm, row_v, mask_v, e_v, red_v, sem):
    wid = lax.axis_index("s") * 2 + lax.axis_index("c")

    @pl.when(wid < _ROWS)
    def _():
        pltpu.sync_copy(logits_hbm.at[wid], row_v)
        pltpu.sync_copy(mask_hbm.at[wid % 4], mask_v)
        neg = jnp.full((_L,), -1e30, jnp.float32)
        macc = neg
        for k in range(_H // _L):
            x = row_v[pl.ds(k * _L, _L)]
            mk = mask_v[pl.ds(k * _L, _L)] > 0
            macc = jnp.maximum(macc, jnp.where(mk, x, neg))
        mx = _lane_allreduce(macc, jnp.maximum, red_v)
        sacc = jnp.zeros((_L,), jnp.float32)
        for k in range(_H // _L):
            x = row_v[pl.ds(k * _L, _L)]
            mk = mask_v[pl.ds(k * _L, _L)] > 0
            e = jnp.where(mk, jnp.exp(x - mx), 0.0)
            e_v[pl.ds(k * _L, _L)] = e
            sacc = sacc + e
        tot = _lane_allreduce(sacc, jnp.add, red_v)
        inv = 1.0 / jnp.maximum(tot, 1e-30)
        for k in range(_H // _L):
            e_v[pl.ds(k * _L, _L)] = e_v[pl.ds(k * _L, _L)] * inv
        pltpu.sync_copy(e_v, out_hbm.at[wid])


def kernel(features, attention_mask, training, W1, b1, W2, b2):
    B, H, D = features.shape
    N = B * H
    feat2d = features.reshape(N, D)
    b1row = b1.reshape(1, D)
    w2row = W2.reshape(1, D)
    maskcol = attention_mask.reshape(N, 1)

    logits = pl.pallas_call(
        _tc_body,
        grid=(B,),
        in_specs=[
            pl.BlockSpec((H, D), lambda i: (i, 0)),
            pl.BlockSpec((D + 1, D), lambda i: (0, 0)),
            pl.BlockSpec((1, D), lambda i: (0, 0)),
            pl.BlockSpec((1, D), lambda i: (0, 0)),
            pl.BlockSpec((H, 1), lambda i: (i, 0)),
        ],
        out_specs=pl.BlockSpec((2, H), lambda i: (0, i)),
        out_shape=jax.ShapeDtypeStruct((2, N), jnp.float32),
    )(feat2d, W1, b1row, w2row, maskcol)

    mesh = plsc.VectorSubcoreMesh(core_axis_name="c", subcore_axis_name="s")
    sc = pl.kernel(
        _sc_softmax,
        mesh=mesh,
        compiler_params=pltpu.CompilerParams(needs_layout_passes=False),
        out_type=jax.ShapeDtypeStruct((_ROWS, H), jnp.float32),
        scratch_types=[
            pltpu.VMEM((H,), jnp.float32),
            pltpu.VMEM((H,), jnp.int32),
            pltpu.VMEM((H,), jnp.float32),
            pltpu.VMEM((_L,), jnp.float32),
            pltpu.SemaphoreType.DMA,
        ],
    )
    probs = sc(logits.reshape(_ROWS, H), attention_mask)
    return probs.reshape(2, B, H, 1)

# --- scband reference (transcript-rebuilt; emitter-appended) ---
"""Pipeline reference for scband-energy-optimizer-80822694576461 (READ-ONLY COPY).

The authoritative reference and input builder live on the scoring server;
editing this copy changes nothing except your own understanding.
"""

import jax, jax.numpy as jnp
import numpy as np

D_MODEL = 768
NUM_VARIANTS = 2
MCMC_STEPS = 2
STEP_SIZE = 0.1
B = 4
H = 512


def setup_inputs(seed: int = 0) -> dict:
    key = jax.random.key(seed)
    k1, k2, k3, k4 = jax.random.split(key, 4)
    features = jax.random.normal(k1, (B, H, D_MODEL), dtype=jnp.float32)
    attention_mask = jax.random.randint(k2, (B, H), 0, 2).astype(jnp.int32)
    W1 = jax.random.normal(k3, (D_MODEL + 1, D_MODEL), dtype=jnp.float32) * (1.0 / np.sqrt(D_MODEL + 1))
    b1 = jnp.zeros((D_MODEL,), dtype=jnp.float32)
    W2 = jax.random.normal(k4, (D_MODEL, 1), dtype=jnp.float32) * (1.0 / np.sqrt(D_MODEL))
    b2 = jnp.zeros((1,), dtype=jnp.float32)
    return {"features": features, "attention_mask": attention_mask, "training": 0,
            "W1": W1, "b1": b1, "W2": W2, "b2": b2}


def _energy(features, probs, W1, b1, W2, b2):
    # EnergyFunction: 2-layer MLP over concat(features, probs) -> scalar energy per horse
    h = jnp.concatenate([features, probs], axis=-1)
    h = jax.nn.gelu(h @ W1 + b1)
    return (h @ W2 + b2)[..., 0]


def _per_race_softmax(logits, mask_bool):
    # logits: [B, H], mask_bool: [B, H]
    neg = jnp.finfo(logits.dtype).min
    masked = jnp.where(mask_bool, logits, neg)
    p = jax.nn.softmax(masked, axis=-1)
    p = jnp.where(mask_bool, p, 0.0)
    cnt = mask_bool.sum(axis=-1, keepdims=True)
    # count==1 -> single-element softmax == 1.0 (matches original); count==0 -> zeros
    return jnp.where(cnt > 0, p, 0.0)


def reference(features, attention_mask, training, W1, b1, W2, b2):
    maskf = attention_mask.astype(jnp.float32)
    maskb = attention_mask.astype(bool)
    feat_exp = jnp.broadcast_to(features[None], (NUM_VARIANTS,) + features.shape)

    def total_energy(preds):
        e = _energy(feat_exp, jax.nn.sigmoid(preds), W1, b1, W2, b2)
        return jnp.sum(e * maskf[None])

    # MCMCSampler: Langevin-style gradient descent on per-horse logits (no noise, training=False)
    preds = jnp.zeros((NUM_VARIANTS, features.shape[0], features.shape[1], 1), dtype=jnp.float32)
    all_step_logits = []
    for _ in range(MCMC_STEPS):
        g = jax.grad(total_energy)(preds)
        preds = preds - STEP_SIZE * g
        all_step_logits.append(preds)

    competitive_steps = []
    for step_logits4 in all_step_logits:
        step_logits = step_logits4[..., 0]  # [V, B, H]
        if NUM_VARIANTS > 1:
            probs_v = jax.nn.sigmoid(step_logits[..., None])
            energies = _energy(feat_exp, probs_v, W1, b1, W2, b2)  # [V, B, H]
            masked_e = energies * maskf[None]
            sum_e = masked_e.sum(axis=-1)  # [V, B]
            denom = jnp.clip(maskf.sum(axis=-1), 1.0, None)[None]  # [1, B]
            mean_e = sum_e / denom
            best = jnp.argmin(mean_e, axis=0)  # [B]
            best_preds = jnp.take_along_axis(step_logits, best[None, :, None], axis=0)[0]  # [B, H]
        else:
            best_preds = step_logits[0]
        step_probs = _per_race_softmax(best_preds, maskb)
        competitive_steps.append(step_probs[..., None])
    return jnp.stack(competitive_steps, axis=0)  # [steps, B, H, 1]

if __name__ == "__main__":
    import jax
    _d = setup_inputs()
    print(jax.jit(kernel)(*tuple(_d.values())))

</pallas_src>

<mosaic_0001>
#map = affine_map<(d0, d1) -> (0, 0)>
module attributes {stable_mosaic.version = 14 : i64} {
  func.func @_sc_softmax(%arg0: i32, %arg1: i32, %arg2: memref<8x512xf32, #tpu.memory_space<hbm>>, %arg3: memref<4x512xi32, #tpu.memory_space<hbm>>, %arg4: memref<8x512xf32, #tpu.memory_space<hbm>>, %arg5: memref<512xf32, #tpu.memory_space<vmem>>, %arg6: memref<512xi32, #tpu.memory_space<vmem>>, %arg7: memref<512xf32, #tpu.memory_space<vmem>>, %arg8: memref<16xf32, #tpu.memory_space<vmem>>, %arg9: memref<!tpu.dma_semaphore, #tpu.memory_space<semaphore_mem>>) attributes {dimension_semantics = [#tpu.dimension_semantics<core_parallel>, #tpu.dimension_semantics<subcore_parallel>], iteration_bounds = array<i64: 2, 16>, scalar_prefetch = 0 : i64, scratch_operands = 5 : i64, tpu.core_type = #tpu.core_type<sc_vector_subcore>, window_params = [{transform_indices = #map}, {transform_indices = #map}, {transform_indices = #map}]} {
    %mul3A = arith.constant 2 : i32
    %mul3A_0 = arith.muli %arg1, %mul3A : i32
    %add3A = arith.addi %mul3A_0, %arg0 : i32
    %lt3A = arith.constant 8 : i32
    %lt3A_1 = arith.cmpi slt, %add3A, %lt3A : i32
    %convert_element_type3A = arith.extui %lt3A_1 : i1 to i32
    %cond3A = arith.constant 0 : i32
    %cond3A_2 = arith.cmpi ne, %convert_element_type3A, %cond3A : i32
    scf.if %cond3A_2 {
      "tpu.region"() ({
        %run_scoped3A = tpu.sem_alloc : memref<!tpu.dma_semaphore, #tpu.memory_space<semaphore_mem>>
        %dma_start3A = arith.constant 0 : i32
        %dma_start3A_998 = tpu.memref_slice %arg2[%add3A, %dma_start3A] : memref<8x512xf32, #tpu.memory_space<hbm>> -> memref<1x512xf32, #tpu.memory_space<hbm>>
        %dma_start3A_999 = tpu.memref_squeeze %dma_start3A_998 : memref<1x512xf32, #tpu.memory_space<hbm>> -> memref<512xf32, #tpu.memory_space<hbm>>
        %dma_start3A_1000 = arith.constant 0 : i32
        %dma_start3A_1001 = tpu.memref_slice %arg2[%add3A, %dma_start3A_1000] : memref<8x512xf32, #tpu.memory_space<hbm>> -> memref<1x512xf32, #tpu.memory_space<hbm>>
        %dma_start3A_1002 = tpu.memref_squeeze %dma_start3A_1001 : memref<1x512xf32, #tpu.memory_space<hbm>> -> memref<512xf32, #tpu.memory_space<hbm>>
        tpu.enqueue_dma source(%dma_start3A_1002 : memref<512xf32, #tpu.memory_space<hbm>>) target(%arg5 : memref<512xf32, #tpu.memory_space<vmem>>) target_semaphore(%run_scoped3A : memref<!tpu.dma_semaphore, #tpu.memory_space<semaphore_mem>>)
        %dma_wait3A = arith.constant 0 : i32
        %dma_wait3A_1003 = tpu.memref_slice %arg2[%add3A, %dma_wait3A] : memref<8x512xf32, #tpu.memory_space<hbm>> -> memref<1x512xf32, #tpu.memory_space<hbm>>
        %dma_wait3A_1004 = tpu.memref_squeeze %dma_wait3A_1003 : memref<1x512xf32, #tpu.memory_space<hbm>> -> memref<512xf32, #tpu.memory_space<hbm>>
        %dma_wait3A_1005 = arith.constant 0 : i32
        %dma_wait3A_1006 = tpu.memref_slice %arg2[%add3A, %dma_wait3A_1005] : memref<8x512xf32, #tpu.memory_space<hbm>> -> memref<1x512xf32, #tpu.memory_space<hbm>>
        %dma_wait3A_1007 = tpu.memref_squeeze %dma_wait3A_1006 : memref<1x512xf32, #tpu.memory_space<hbm>> -> memref<512xf32, #tpu.memory_space<hbm>>
        tpu.wait_dma2 semaphore(%run_scoped3A : memref<!tpu.dma_semaphore, #tpu.memory_space<semaphore_mem>>) src(%dma_wait3A_1007 : memref<512xf32, #tpu.memory_space<hbm>>) dst(%arg5 : memref<512xf32, #tpu.memory_space<vmem>>)
        tpu.yield
      }) : () -> ()
      %jit3A = arith.constant 4 : i32
      %eq3A = arith.constant 0 : i32
      %eq3A_3 = arith.cmpi eq, %jit3A, %eq3A : i32
      %jit3A_4 = arith.constant 1 : i32
      %select_n3A = arith.select %eq3A_3, %jit3A_4, %jit3A : i32
      %rem3A = arith.remsi %add3A, %select_n3A : i32
      %ne3A = arith.constant 0 : i32
      %ne3A_5 = arith.cmpi ne, %rem3A, %ne3A : i32
      %lt3A_6 = arith.constant 0 : i32
      %lt3A_7 = arith.cmpi slt, %rem3A, %lt3A_6 : i32
      %lt3A_8 = arith.constant 0 : i32
      %lt3A_9 = arith.cmpi slt, %select_n3A, %lt3A_8 : i32
      %ne3A_10 = arith.xori %lt3A_7, %lt3A_9 : i1
      %and3A = arith.andi %ne3A_10, %ne3A_5 : i1
      %add3A_11 = arith.addi %rem3A, %select_n3A : i32
      %select_n3A_12 = arith.select %and3A, %add3A_11, %rem3A : i32
      "tpu.region"() ({
        %run_scoped3A = tpu.sem_alloc : memref<!tpu.dma_semaphore, #tpu.memory_space<semaphore_mem>>
        %dma_start3A = arith.constant 0 : i32
        %dma_start3A_998 = tpu.memref_slice %arg3[%select_n3A_12, %dma_start3A] : memref<4x512xi32, #tpu.memory_space<hbm>> -> memref<1x512xi32, #tpu.memory_space<hbm>>
        %dma_start3A_999 = tpu.memref_squeeze %dma_start3A_998 : memref<1x512xi32, #tpu.memory_space<hbm>> -> memref<512xi32, #tpu.memory_space<hbm>>
        %dma_start3A_1000 = arith.constant 0 : i32
        %dma_start3A_1001 = tpu.memref_slice %arg3[%select_n3A_12, %dma_start3A_1000] : memref<4x512xi32, #tpu.memory_space<hbm>> -> memref<1x512xi32, #tpu.memory_space<hbm>>
        %dma_start3A_1002 = tpu.memref_squeeze %dma_start3A_1001 : memref<1x512xi32, #tpu.memory_space<hbm>> -> memref<512xi32, #tpu.memory_space<hbm>>
        tpu.enqueue_dma source(%dma_start3A_1002 : memref<512xi32, #tpu.memory_space<hbm>>) target(%arg6 : memref<512xi32, #tpu.memory_space<vmem>>) target_semaphore(%run_scoped3A : memref<!tpu.dma_semaphore, #tpu.memory_space<semaphore_mem>>)
        %dma_wait3A = arith.constant 0 : i32
        %dma_wait3A_1003 = tpu.memref_slice %arg3[%select_n3A_12, %dma_wait3A] : memref<4x512xi32, #tpu.memory_space<hbm>> -> memref<1x512xi32, #tpu.memory_space<hbm>>
        %dma_wait3A_1004 = tpu.memref_squeeze %dma_wait3A_1003 : memref<1x512xi32, #tpu.memory_space<hbm>> -> memref<512xi32, #tpu.memory_space<hbm>>
        %dma_wait3A_1005 = arith.constant 0 : i32
        %dma_wait3A_1006 = tpu.memref_slice %arg3[%select_n3A_12, %dma_wait3A_1005] : memref<4x512xi32, #tpu.memory_space<hbm>> -> memref<1x512xi32, #tpu.memory_space<hbm>>
        %dma_wait3A_1007 = tpu.memref_squeeze %dma_wait3A_1006 : memref<1x512xi32, #tpu.memory_space<hbm>> -> memref<512xi32, #tpu.memory_space<hbm>>
        tpu.wait_dma2 semaphore(%run_scoped3A : memref<!tpu.dma_semaphore, #tpu.memory_space<semaphore_mem>>) src(%dma_wait3A_1007 : memref<512xi32, #tpu.memory_space<hbm>>) dst(%arg6 : memref<512xi32, #tpu.memory_space<vmem>>)
        tpu.yield
      }) : () -> ()
      %broadcast_in_dim3A = arith.constant -1.000000e+30 : f32
      %broadcast_in_dim3A_13 = vector.broadcast %broadcast_in_dim3A : f32 to vector<16xf32>
      %get3A = arith.constant 0 : index
      %get3A_14 = tpu.vector_load %arg5[%get3A] {strides = array<i32>} : memref<512xf32, #tpu.memory_space<vmem>>, vector<16xf32>,
      %get3A_15 = arith.constant 0 : index
      %get3A_16 = tpu.vector_load %arg6[%get3A_15] {strides = array<i32>} : memref<512xi32, #tpu.memory_space<vmem>>, vector<16xi32>,
      %gt3A = arith.constant 0 : i32
      %gt3A_17 = vector.broadcast %gt3A : i32 to vector<16xi32>
      %gt3A_18 = arith.cmpi sgt, %get3A_16, %gt3A_17 : vector<16xi32>
      %select_n3A_19 = arith.select %gt3A_18, %get3A_14, %broadcast_in_dim3A_13 : vector<16xi1>, vector<16xf32>
      %max3A = arith.maximumf %broadcast_in_dim3A_13, %select_n3A_19 : vector<16xf32>
      %get3A_20 = arith.constant 16 : index
      %get3A_21 = tpu.vector_load %arg5[%get3A_20] {strides = array<i32>} : memref<512xf32, #tpu.memory_space<vmem>>, vector<16xf32>,
      %get3A_22 = arith.constant 16 : index
      %get3A_23 = tpu.vector_load %arg6[%get3A_22] {strides = array<i32>} : memref<512xi32, #tpu.memory_space<vmem>>, vector<16xi32>,
      %gt3A_24 = arith.constant 0 : i32
      %gt3A_25 = vector.broadcast %gt3A_24 : i32 to vector<16xi32>
      %gt3A_26 = arith.cmpi sgt, %get3A_23, %gt3A_25 : vector<16xi32>
      %select_n3A_27 = arith.select %gt3A_26, %get3A_21, %broadcast_in_dim3A_13 : vector<16xi1>, vector<16xf32>
      %max3A_28 = arith.maximumf %max3A, %select_n3A_27 : vector<16xf32>
      %get3A_29 = arith.constant 32 : index
      %get3A_30 = tpu.vector_load %arg5[%get3A_29] {strides = array<i32>} : memref<512xf32, #tpu.memory_space<vmem>>, vector<16xf32>,
      %get3A_31 = arith.constant 32 : index
      %get3A_32 = tpu.vector_load %arg6[%get3A_31] {strides = array<i32>} : memref<512xi32, #tpu.memory_space<vmem>>, vector<16xi32>,
      %gt3A_33 = arith.constant 0 : i32
      %gt3A_34 = vector.broadcast %gt3A_33 : i32 to vector<16xi32>
      %gt3A_35 = arith.cmpi sgt, %get3A_32, %gt3A_34 : vector<16xi32>
      %select_n3A_36 = arith.select %gt3A_35, %get3A_30, %broadcast_in_dim3A_13 : vector<16xi1>, vector<16xf32>
      %max3A_37 = arith.maximumf %max3A_28, %select_n3A_36 : vector<16xf32>
      %get3A_38 = arith.constant 48 : index
      %get3A_39 = tpu.vector_load %arg5[%get3A_38] {strides = array<i32>} : memref<512xf32, #tpu.memory_space<vmem>>, vector<16xf32>,
      %get3A_40 = arith.constant 48 : index
      %get3A_41 = tpu.vector_load %arg6[%get3A_40] {strides = array<i32>} : memref<512xi32, #tpu.memory_space<vmem>>, vector<16xi32>,
      %gt3A_42 = arith.constant 0 : i32
      %gt3A_43 = vector.broadcast %gt3A_42 : i32 to vector<16xi32>
      %gt3A_44 = arith.cmpi sgt, %get3A_41, %gt3A_43 : vector<16xi32>
      %select_n3A_45 = arith.select %gt3A_44, %get3A_39, %broadcast_in_dim3A_13 : vector<16xi1>, vector<16xf32>
      %max3A_46 = arith.maximumf %max3A_37, %select_n3A_45 : vector<16xf32>
      %get3A_47 = arith.constant 64 : index
      %get3A_48 = tpu.vector_load %arg5[%get3A_47] {strides = array<i32>} : memref<512xf32, #tpu.memory_space<vmem>>, vector<16xf32>,
      %get3A_49 = arith.constant 64 : index
      %get3A_50 = tpu.vector_load %arg6[%get3A_49] {strides = array<i32>} : memref<512xi32, #tpu.memory_space<vmem>>, vector<16xi32>,
      %gt3A_51 = arith.constant 0 : i32
      %gt3A_52 = vector.broadcast %gt3A_51 : i32 to vector<16xi32>
      %gt3A_53 = arith.cmpi sgt, %get3A_50, %gt3A_52 : vector<16xi32>
      %select_n3A_54 = arith.select %gt3A_53, %get3A_48, %broadcast_in_dim3A_13 : vector<16xi1>, vector<16xf32>
      %max3A_55 = arith.maximumf %max3A_46, %select_n3A_54 : vector<16xf32>
      %get3A_56 = arith.constant 80 : index
      %get3A_57 = tpu.vector_load %arg5[%get3A_56] {strides = array<i32>} : memref<512xf32, #tpu.memory_space<vmem>>, vector<16xf32>,
      %get3A_58 = arith.constant 80 : index
      %get3A_59 = tpu.vector_load %arg6[%get3A_58] {strides = array<i32>} : memref<512xi32, #tpu.memory_space<vmem>>, vector<16xi32>,
      %gt3A_60 = arith.constant 0 : i32
      %gt3A_61 = vector.broadcast %gt3A_60 : i32 to vector<16xi32>
      %gt3A_62 = arith.cmpi sgt, %get3A_59, %gt3A_61 : vector<16xi32>
      %select_n3A_63 = arith.select %gt3A_62, %get3A_57, %broadcast_in_dim3A_13 : vector<16xi1>, vector<16xf32>
      %max3A_64 = arith.maximumf %max3A_55, %select_n3A_63 : vector<16xf32>
      %get3A_65 = arith.constant 96 : index
      %get3A_66 = tpu.vector_load %arg5[%get3A_65] {strides = array<i32>} : memref<512xf32, #tpu.memory_space<vmem>>, vector<16xf32>,
      %get3A_67 = arith.constant 96 : index
      %get3A_68 = tpu.vector_load %arg6[%get3A_67] {strides = array<i32>} : memref<512xi32, #tpu.memory_space<vmem>>, vector<16xi32>,
      %gt3A_69 = arith.constant 0 : i32
      %gt3A_70 = vector.broadcast %gt3A_69 : i32 to vector<16xi32>
      %gt3A_71 = arith.cmpi sgt, %get3A_68, %gt3A_70 : vector<16xi32>
      %select_n3A_72 = arith.select %gt3A_71, %get3A_66, %broadcast_in_dim3A_13 : vector<16xi1>, vector<16xf32>
      %max3A_73 = arith.maximumf %max3A_64, %select_n3A_72 : vector<16xf32>
      %get3A_74 = arith.constant 112 : index
      %get3A_75 = tpu.vector_load %arg5[%get3A_74] {strides = array<i32>} : memref<512xf32, #tpu.memory_space<vmem>>, vector<16xf32>,
      %get3A_76 = arith.constant 112 : index
      %get3A_77 = tpu.vector_load %arg6[%get3A_76] {strides = array<i32>} : memref<512xi32, #tpu.memory_space<vmem>>, vector<16xi32>,
      %gt3A_78 = arith.constant 0 : i32
      %gt3A_79 = vector.broadcast %gt3A_78 : i32 to vector<16xi32>
      %gt3A_80 = arith.cmpi sgt, %get3A_77, %gt3A_79 : vector<16xi32>
      %select_n3A_81 = arith.select %gt3A_80, %get3A_75, %broadcast_in_dim3A_13 : vector<16xi1>, vector<16xf32>
      %max3A_82 = arith.maximumf %max3A_73, %select_n3A_81 : vector<16xf32>
      %get3A_83 = arith.constant 128 : index
      %get3A_84 = tpu.vector_load %arg5[%get3A_83] {strides = array<i32>} : memref<512xf32, #tpu.memory_space<vmem>>, vector<16xf32>,
      %get3A_85 = arith.constant 128 : index
      %get3A_86 = tpu.vector_load %arg6[%get3A_85] {strides = array<i32>} : memref<512xi32, #tpu.memory_space<vmem>>, vector<16xi32>,
      %gt3A_87 = arith.constant 0 : i32
      %gt3A_88 = vector.broadcast %gt3A_87 : i32 to vector<16xi32>
      %gt3A_89 = arith.cmpi sgt, %get3A_86, %gt3A_88 : vector<16xi32>
      %select_n3A_90 = arith.select %gt3A_89, %get3A_84, %broadcast_in_dim3A_13 : vector<16xi1>, vector<16xf32>
      %max3A_91 = arith.maximumf %max3A_82, %select_n3A_90 : vector<16xf32>
      %get3A_92 = arith.constant 144 : index
      %get3A_93 = tpu.vector_load %arg5[%get3A_92] {strides = array<i32>} : memref<512xf32, #tpu.memory_space<vmem>>, vector<16xf32>,
      %get3A_94 = arith.constant 144 : index
      %get3A_95 = tpu.vector_load %arg6[%get3A_94] {strides = array<i32>} : memref<512xi32, #tpu.memory_space<vmem>>, vector<16xi32>,
      %gt3A_96 = arith.constant 0 : i32
      %gt3A_97 = vector.broadcast %gt3A_96 : i32 to vector<16xi32>
      %gt3A_98 = arith.cmpi sgt, %get3A_95, %gt3A_97 : vector<16xi32>
      %select_n3A_99 = arith.select %gt3A_98, %get3A_93, %broadcast_in_dim3A_13 : vector<16xi1>, vector<16xf32>
      %max3A_100 = arith.maximumf %max3A_91, %select_n3A_99 : vector<16xf32>
      %get3A_101 = arith.constant 160 : index
      %get3A_102 = tpu.vector_load %arg5[%get3A_101] {strides = array<i32>} : memref<512xf32, #tpu.memory_space<vmem>>, vector<16xf32>,
      %get3A_103 = arith.constant 160 : index
      %get3A_104 = tpu.vector_load %arg6[%get3A_103] {strides = array<i32>} : memref<512xi32, #tpu.memory_space<vmem>>, vector<16xi32>,
      %gt3A_105 = arith.constant 0 : i32
      %gt3A_106 = vector.broadcast %gt3A_105 : i32 to vector<16xi32>
      %gt3A_107 = arith.cmpi sgt, %get3A_104, %gt3A_106 : vector<16xi32>
      %select_n3A_108 = arith.select %gt3A_107, %get3A_102, %broadcast_in_dim3A_13 : vector<16xi1>, vector<16xf32>
      %max3A_109 = arith.maximumf %max3A_100, %select_n3A_108 : vector<16xf32>
      %get3A_110 = arith.constant 176 : index
      %get3A_111 = tpu.vector_load %arg5[%get3A_110] {strides = array<i32>} : memref<512xf32, #tpu.memory_space<vmem>>, vector<16xf32>,
      %get3A_112 = arith.constant 176 : index
      %get3A_113 = tpu.vector_load %arg6[%get3A_112] {strides = array<i32>} : memref<512xi32, #tpu.memory_space<vmem>>, vector<16xi32>,
      %gt3A_114 = arith.constant 0 : i32
      %gt3A_115 = vector.broadcast %gt3A_114 : i32 to vector<16xi32>
      %gt3A_116 = arith.cmpi sgt, %get3A_113, %gt3A_115 : vector<16xi32>
      %select_n3A_117 = arith.select %gt3A_116, %get3A_111, %broadcast_in_dim3A_13 : vector<16xi1>, vector<16xf32>
      %max3A_118 = arith.maximumf %max3A_109, %select_n3A_117 : vector<16xf32>
      %get3A_119 = arith.constant 192 : index
      %get3A_120 = tpu.vector_load %arg5[%get3A_119] {strides = array<i32>} : memref<512xf32, #tpu.memory_space<vmem>>, vector<16xf32>,
      %get3A_121 = arith.constant 192 : index
      %get3A_122 = tpu.vector_load %arg6[%get3A_121] {strides = array<i32>} : memref<512xi32, #tpu.memory_space<vmem>>, vector<16xi32>,
      %gt3A_123 = arith.constant 0 : i32
      %gt3A_124 = vector.broadcast %gt3A_123 : i32 to vector<16xi32>
      %gt3A_125 = arith.cmpi sgt, %get3A_122, %gt3A_124 : vector<16xi32>
      %select_n3A_126 = arith.select %gt3A_125, %get3A_120, %broadcast_in_dim3A_13 : vector<16xi1>, vector<16xf32>
      %max3A_127 = arith.maximumf %max3A_118, %select_n3A_126 : vector<16xf32>
      %get3A_128 = arith.constant 208 : index
      %get3A_129 = tpu.vector_load %arg5[%get3A_128] {strides = array<i32>} : memref<512xf32, #tpu.memory_space<vmem>>, vector<16xf32>,
      %get3A_130 = arith.constant 208 : index
      %get3A_131 = tpu.vector_load %arg6[%get3A_130] {strides = array<i32>} : memref<512xi32, #tpu.memory_space<vmem>>, vector<16xi32>,
      %gt3A_132 = arith.constant 0 : i32
      %gt3A_133 = vector.broadcast %gt3A_132 : i32 to vector<16xi32>
      %gt3A_134 = arith.cmpi sgt, %get3A_131, %gt3A_133 : vector<16xi32>
      %select_n3A_135 = arith.select %gt3A_134, %get3A_129, %broadcast_in_dim3A_13 : vector<16xi1>, vector<16xf32>
      %max3A_136 = arith.maximumf %max3A_127, %select_n3A_135 : vector<16xf32>
      %get3A_137 = arith.constant 224 : index
      %get3A_138 = tpu.vector_load %arg5[%get3A_137] {strides = array<i32>} : memref<512xf32, #tpu.memory_space<vmem>>, vector<16xf32>,
      %get3A_139 = arith.constant 224 : index
      %get3A_140 = tpu.vector_load %arg6[%get3A_139] {strides = array<i32>} : memref<512xi32, #tpu.memory_space<vmem>>, vector<16xi32>,
      %gt3A_141 = arith.constant 0 : i32
      %gt3A_142 = vector.broadcast %gt3A_141 : i32 to vector<16xi32>
      %gt3A_143 = arith.cmpi sgt, %get3A_140, %gt3A_142 : vector<16xi32>
      %select_n3A_144 = arith.select %gt3A_143, %get3A_138, %broadcast_in_dim3A_13 : vector<16xi1>, vector<16xf32>
      %max3A_145 = arith.maximumf %max3A_136, %select_n3A_144 : vector<16xf32>
      %get3A_146 = arith.constant 240 : index
      %get3A_147 = tpu.vector_load %arg5[%get3A_146] {strides = array<i32>} : memref<512xf32, #tpu.memory_space<vmem>>, vector<16xf32>,
      %get3A_148 = arith.constant 240 : index
      %get3A_149 = tpu.vector_load %arg6[%get3A_148] {strides = array<i32>} : memref<512xi32, #tpu.memory_space<vmem>>, vector<16xi32>,
      %gt3A_150 = arith.constant 0 : i32
      %gt3A_151 = vector.broadcast %gt3A_150 : i32 to vector<16xi32>
      %gt3A_152 = arith.cmpi sgt, %get3A_149, %gt3A_151 : vector<16xi32>
      %select_n3A_153 = arith.select %gt3A_152, %get3A_147, %broadcast_in_dim3A_13 : vector<16xi1>, vector<16xf32>
      %max3A_154 = arith.maximumf %max3A_145, %select_n3A_153 : vector<16xf32>
      %get3A_155 = arith.constant 256 : index
      %get3A_156 = tpu.vector_load %arg5[%get3A_155] {strides = array<i32>} : memref<512xf32, #tpu.memory_space<vmem>>, vector<16xf32>,
      %get3A_157 = arith.constant 256 : index
      %get3A_158 = tpu.vector_load %arg6[%get3A_157] {strides = array<i32>} : memref<512xi32, #tpu.memory_space<vmem>>, vector<16xi32>,
      %gt3A_159 = arith.constant 0 : i32
      %gt3A_160 = vector.broadcast %gt3A_159 : i32 to vector<16xi32>
      %gt3A_161 = arith.cmpi sgt, %get3A_158, %gt3A_160 : vector<16xi32>
      %select_n3A_162 = arith.select %gt3A_161, %get3A_156, %broadcast_in_dim3A_13 : vector<16xi1>, vector<16xf32>
      %max3A_163 = arith.maximumf %max3A_154, %select_n3A_162 : vector<16xf32>
      %get3A_164 = arith.constant 272 : index
      %get3A_165 = tpu.vector_load %arg5[%get3A_164] {strides = array<i32>} : memref<512xf32, #tpu.memory_space<vmem>>, vector<16xf32>,
      %get3A_166 = arith.constant 272 : index
      %get3A_167 = tpu.vector_load %arg6[%get3A_166] {strides = array<i32>} : memref<512xi32, #tpu.memory_space<vmem>>, vector<16xi32>,
      %gt3A_168 = arith.constant 0 : i32
      %gt3A_169 = vector.broadcast %gt3A_168 : i32 to vector<16xi32>
      %gt3A_170 = arith.cmpi sgt, %get3A_167, %gt3A_169 : vector<16xi32>
      %select_n3A_171 = arith.select %gt3A_170, %get3A_165, %broadcast_in_dim3A_13 : vector<16xi1>, vector<16xf32>
      %max3A_172 = arith.maximumf %max3A_163, %select_n3A_171 : vector<16xf32>
      %get3A_173 = arith.constant 288 : index
      %get3A_174 = tpu.vector_load %arg5[%get3A_173] {strides = array<i32>} : memref<512xf32, #tpu.memory_space<vmem>>, vector<16xf32>,
      %get3A_175 = arith.constant 288 : index
      %get3A_176 = tpu.vector_load %arg6[%get3A_175] {strides = array<i32>} : memref<512xi32, #tpu.memory_space<vmem>>, vector<16xi32>,
      %gt3A_177 = arith.constant 0 : i32
      %gt3A_178 = vector.broadcast %gt3A_177 : i32 to vector<16xi32>
      %gt3A_179 = arith.cmpi sgt, %get3A_176, %gt3A_178 : vector<16xi32>
      %select_n3A_180 = arith.select %gt3A_179, %get3A_174, %broadcast_in_dim3A_13 : vector<16xi1>, vector<16xf32>
      %max3A_181 = arith.maximumf %max3A_172, %select_n3A_180 : vector<16xf32>
      %get3A_182 = arith.constant 304 : index
      %get3A_183 = tpu.vector_load %arg5[%get3A_182] {strides = array<i32>} : memref<512xf32, #tpu.memory_space<vmem>>, vector<16xf32>,
      %get3A_184 = arith.constant 304 : index
      %get3A_185 = tpu.vector_load %arg6[%get3A_184] {strides = array<i32>} : memref<512xi32, #tpu.memory_space<vmem>>, vector<16xi32>,
      %gt3A_186 = arith.constant 0 : i32
      %gt3A_187 = vector.broadcast %gt3A_186 : i32 to vector<16xi32>
      %gt3A_188 = arith.cmpi sgt, %get3A_185, %gt3A_187 : vector<16xi32>
      %select_n3A_189 = arith.select %gt3A_188, %get3A_183, %broadcast_in_dim3A_13 : vector<16xi1>, vector<16xf32>
      %max3A_190 = arith.maximumf %max3A_181, %select_n3A_189 : vector<16xf32>
      %get3A_191 = arith.constant 320 : index
      %get3A_192 = tpu.vector_load %arg5[%get3A_191] {strides = array<i32>} : memref<512xf32, #tpu.memory_space<vmem>>, vector<16xf32>,
      %get3A_193 = arith.constant 320 : index
      %get3A_194 = tpu.vector_load %arg6[%get3A_193] {strides = array<i32>} : memref<512xi32, #tpu.memory_space<vmem>>, vector<16xi32>,
      %gt3A_195 = arith.constant 0 : i32
      %gt3A_196 = vector.broadcast %gt3A_195 : i32 to vector<16xi32>
      %gt3A_197 = arith.cmpi sgt, %get3A_194, %gt3A_196 : vector<16xi32>
      %select_n3A_198 = arith.select %gt3A_197, %get3A_192, %broadcast_in_dim3A_13 : vector<16xi1>, vector<16xf32>
      %max3A_199 = arith.maximumf %max3A_190, %select_n3A_198 : vector<16xf32>
      %get3A_200 = arith.constant 336 : index
      %get3A_201 = tpu.vector_load %arg5[%get3A_200] {strides = array<i32>} : memref<512xf32, #tpu.memory_space<vmem>>, vector<16xf32>,
      %get3A_202 = arith.constant 336 : index
      %get3A_203 = tpu.vector_load %arg6[%get3A_202] {strides = array<i32>} : memref<512xi32, #tpu.memory_space<vmem>>, vector<16xi32>,
      %gt3A_204 = arith.constant 0 : i32
      %gt3A_205 = vector.broadcast %gt3A_204 : i32 to vector<16xi32>
      %gt3A_206 = arith.cmpi sgt, %get3A_203, %gt3A_205 : vector<16xi32>
      %select_n3A_207 = arith.select %gt3A_206, %get3A_201, %broadcast_in_dim3A_13 : vector<16xi1>, vector<16xf32>
      %max3A_208 = arith.maximumf %max3A_199, %select_n3A_207 : vector<16xf32>
      %get3A_209 = arith.constant 352 : index
      %get3A_210 = tpu.vector_load %arg5[%get3A_209] {strides = array<i32>} : memref<512xf32, #tpu.memory_space<vmem>>, vector<16xf32>,
      %get3A_211 = arith.constant 352 : index
      %get3A_212 = tpu.vector_load %arg6[%get3A_211] {strides = array<i32>} : memref<512xi32, #tpu.memory_space<vmem>>, vector<16xi32>,
      %gt3A_213 = arith.constant 0 : i32
      %gt3A_214 = vector.broadcast %gt3A_213 : i32 to vector<16xi32>
      %gt3A_215 = arith.cmpi sgt, %get3A_212, %gt3A_214 : vector<16xi32>
      %select_n3A_216 = arith.select %gt3A_215, %get3A_210, %broadcast_in_dim3A_13 : vector<16xi1>, vector<16xf32>
      %max3A_217 = arith.maximumf %max3A_208, %select_n3A_216 : vector<16xf32>
      %get3A_218 = arith.constant 368 : index
      %get3A_219 = tpu.vector_load %arg5[%get3A_218] {strides = array<i32>} : memref<512xf32, #tpu.memory_space<vmem>>, vector<16xf32>,
      %get3A_220 = arith.constant 368 : index
      %get3A_221 = tpu.vector_load %arg6[%get3A_220] {strides = array<i32>} : memref<512xi32, #tpu.memory_space<vmem>>, vector<16xi32>,
      %gt3A_222 = arith.constant 0 : i32
      %gt3A_223 = vector.broadcast %gt3A_222 : i32 to vector<16xi32>
      %gt3A_224 = arith.cmpi sgt, %get3A_221, %gt3A_223 : vector<16xi32>
      %select_n3A_225 = arith.select %gt3A_224, %get3A_219, %broadcast_in_dim3A_13 : vector<16xi1>, vector<16xf32>
      %max3A_226 = arith.maximumf %max3A_217, %select_n3A_225 : vector<16xf32>
      %get3A_227 = arith.constant 384 : index
      %get3A_228 = tpu.vector_load %arg5[%get3A_227] {strides = array<i32>} : memref<512xf32, #tpu.memory_space<vmem>>, vector<16xf32>,
      %get3A_229 = arith.constant 384 : index
      %get3A_230 = tpu.vector_load %arg6[%get3A_229] {strides = array<i32>} : memref<512xi32, #tpu.memory_space<vmem>>, vector<16xi32>,
      %gt3A_231 = arith.constant 0 : i32
      %gt3A_232 = vector.broadcast %gt3A_231 : i32 to vector<16xi32>
      %gt3A_233 = arith.cmpi sgt, %get3A_230, %gt3A_232 : vector<16xi32>
      %select_n3A_234 = arith.select %gt3A_233, %get3A_228, %broadcast_in_dim3A_13 : vector<16xi1>, vector<16xf32>
      %max3A_235 = arith.maximumf %max3A_226, %select_n3A_234 : vector<16xf32>
      %get3A_236 = arith.constant 400 : index
      %get3A_237 = tpu.vector_load %arg5[%get3A_236] {strides = array<i32>} : memref<512xf32, #tpu.memory_space<vmem>>, vector<16xf32>,
      %get3A_238 = arith.constant 400 : index
      %get3A_239 = tpu.vector_load %arg6[%get3A_238] {strides = array<i32>} : memref<512xi32, #tpu.memory_space<vmem>>, vector<16xi32>,
      %gt3A_240 = arith.constant 0 : i32
      %gt3A_241 = vector.broadcast %gt3A_240 : i32 to vector<16xi32>
      %gt3A_242 = arith.cmpi sgt, %get3A_239, %gt3A_241 : vector<16xi32>
      %select_n3A_243 = arith.select %gt3A_242, %get3A_237, %broadcast_in_dim3A_13 : vector<16xi1>, vector<16xf32>
      %max3A_244 = arith.maximumf %max3A_235, %select_n3A_243 : vector<16xf32>
      %get3A_245 = arith.constant 416 : index
      %get3A_246 = tpu.vector_load %arg5[%get3A_245] {strides = array<i32>} : memref<512xf32, #tpu.memory_space<vmem>>, vector<16xf32>,
      %get3A_247 = arith.constant 416 : index
      %get3A_248 = tpu.vector_load %arg6[%get3A_247] {strides = array<i32>} : memref<512xi32, #tpu.memory_space<vmem>>, vector<16xi32>,
      %gt3A_249 = arith.constant 0 : i32
      %gt3A_250 = vector.broadcast %gt3A_249 : i32 to vector<16xi32>
      %gt3A_251 = arith.cmpi sgt, %get3A_248, %gt3A_250 : vector<16xi32>
      %select_n3A_252 = arith.select %gt3A_251, %get3A_246, %broadcast_in_dim3A_13 : vector<16xi1>, vector<16xf32>
      %max3A_253 = arith.maximumf %max3A_244, %select_n3A_252 : vector<16xf32>
      %get3A_254 = arith.constant 432 : index
      %get3A_255 = tpu.vector_load %arg5[%get3A_254] {strides = array<i32>} : memref<512xf32, #tpu.memory_space<vmem>>, vector<16xf32>,
      %get3A_256 = arith.constant 432 : index
      %get3A_257 = tpu.vector_load %arg6[%get3A_256] {strides = array<i32>} : memref<512xi32, #tpu.memory_space<vmem>>, vector<16xi32>,
      %gt3A_258 = arith.constant 0 : i32
      %gt3A_259 = vector.broadcast %gt3A_258 : i32 to vector<16xi32>
      %gt3A_260 = arith.cmpi sgt, %get3A_257, %gt3A_259 : vector<16xi32>
      %select_n3A_261 = arith.select %gt3A_260, %get3A_255, %broadcast_in_dim3A_13 : vector<16xi1>, vector<16xf32>
      %max3A_262 = arith.maximumf %max3A_253, %select_n3A_261 : vector<16xf32>
      %get3A_263 = arith.constant 448 : index
      %get3A_264 = tpu.vector_load %arg5[%get3A_263] {strides = array<i32>} : memref<512xf32, #tpu.memory_space<vmem>>, vector<16xf32>,
      %get3A_265 = arith.constant 448 : index
      %get3A_266 = tpu.vector_load %arg6[%get3A_265] {strides = array<i32>} : memref<512xi32, #tpu.memory_space<vmem>>, vector<16xi32>,
      %gt3A_267 = arith.constant 0 : i32
      %gt3A_268 = vector.broadcast %gt3A_267 : i32 to vector<16xi32>
      %gt3A_269 = arith.cmpi sgt, %get3A_266, %gt3A_268 : vector<16xi32>
      %select_n3A_270 = arith.select %gt3A_269, %get3A_264, %broadcast_in_dim3A_13 : vector<16xi1>, vector<16xf32>
      %max3A_271 = arith.maximumf %max3A_262, %select_n3A_270 : vector<16xf32>
      %get3A_272 = arith.constant 464 : index
      %get3A_273 = tpu.vector_load %arg5[%get3A_272] {strides = array<i32>} : memref<512xf32, #tpu.memory_space<vmem>>, vector<16xf32>,
      %get3A_274 = arith.constant 464 : index
      %get3A_275 = tpu.vector_load %arg6[%get3A_274] {strides = array<i32>} : memref<512xi32, #tpu.memory_space<vmem>>, vector<16xi32>,
      %gt3A_276 = arith.constant 0 : i32
      %gt3A_277 = vector.broadcast %gt3A_276 : i32 to vector<16xi32>
      %gt3A_278 = arith.cmpi sgt, %get3A_275, %gt3A_277 : vector<16xi32>
      %select_n3A_279 = arith.select %gt3A_278, %get3A_273, %broadcast_in_dim3A_13 : vector<16xi1>, vector<16xf32>
      %max3A_280 = arith.maximumf %max3A_271, %select_n3A_279 : vector<16xf32>
      %get3A_281 = arith.constant 480 : index
      %get3A_282 = tpu.vector_load %arg5[%get3A_281] {strides = array<i32>} : memref<512xf32, #tpu.memory_space<vmem>>, vector<16xf32>,
      %get3A_283 = arith.constant 480 : index
      %get3A_284 = tpu.vector_load %arg6[%get3A_283] {strides = array<i32>} : memref<512xi32, #tpu.memory_space<vmem>>, vector<16xi32>,
      %gt3A_285 = arith.constant 0 : i32
      %gt3A_286 = vector.broadcast %gt3A_285 : i32 to vector<16xi32>
      %gt3A_287 = arith.cmpi sgt, %get3A_284, %gt3A_286 : vector<16xi32>
      %select_n3A_288 = arith.select %gt3A_287, %get3A_282, %broadcast_in_dim3A_13 : vector<16xi1>, vector<16xf32>
      %max3A_289 = arith.maximumf %max3A_280, %select_n3A_288 : vector<16xf32>
      %get3A_290 = arith.constant 496 : index
      %get3A_291 = tpu.vector_load %arg5[%get3A_290] {strides = array<i32>} : memref<512xf32, #tpu.memory_space<vmem>>, vector<16xf32>,
      %get3A_292 = arith.constant 496 : index
      %get3A_293 = tpu.vector_load %arg6[%get3A_292] {strides = array<i32>} : memref<512xi32, #tpu.memory_space<vmem>>, vector<16xi32>,
      %gt3A_294 = arith.constant 0 : i32
      %gt3A_295 = vector.broadcast %gt3A_294 : i32 to vector<16xi32>
      %gt3A_296 = arith.cmpi sgt, %get3A_293, %gt3A_295 : vector<16xi32>
      %select_n3A_297 = arith.select %gt3A_296, %get3A_291, %broadcast_in_dim3A_13 : vector<16xi1>, vector<16xf32>
      %max3A_298 = arith.maximumf %max3A_289, %select_n3A_297 : vector<16xf32>
      %iota3A = tpu.iota {dimensions = array<i32: 0>} : vector<16xi32>
      %swap3A = arith.constant 0 : index
      %swap3A_299 = tpu.vector_load %arg8[%swap3A] {strides = array<i32>} : memref<16xf32, #tpu.memory_space<vmem>>, vector<16xf32>,
      tpu.vector_store %arg8[%swap3A], %max3A_298 {strides = array<i32>} : memref<16xf32, #tpu.memory_space<vmem>>, vector<16xf32>,
      %xor3A = arith.constant 1 : i32
      %xor3A_300 = vector.broadcast %xor3A : i32 to vector<16xi32>
      %xor3A_301 = arith.xori %iota3A, %xor3A_300 : vector<16xi32>
      %gather3A = tpu.vector_load_idx %arg8[%xor3A_301] : memref<16xf32, #tpu.memory_space<vmem>>[vector<16xi32>], vector<16xf32>,
      %max3A_302 = arith.maximumf %max3A_298, %gather3A : vector<16xf32>
      %swap3A_303 = arith.constant 0 : index
      %swap3A_304 = tpu.vector_load %arg8[%swap3A_303] {strides = array<i32>} : memref<16xf32, #tpu.memory_space<vmem>>, vector<16xf32>,
      tpu.vector_store %arg8[%swap3A_303], %max3A_302 {strides = array<i32>} : memref<16xf32, #tpu.memory_space<vmem>>, vector<16xf32>,
      %xor3A_305 = arith.constant 2 : i32
      %xor3A_306 = vector.broadcast %xor3A_305 : i32 to vector<16xi32>
      %xor3A_307 = arith.xori %iota3A, %xor3A_306 : vector<16xi32>
      %gather3A_308 = tpu.vector_load_idx %arg8[%xor3A_307] : memref<16xf32, #tpu.memory_space<vmem>>[vector<16xi32>], vector<16xf32>,
      %max3A_309 = arith.maximumf %max3A_302, %gather3A_308 : vector<16xf32>
      %swap3A_310 = arith.constant 0 : index
      %swap3A_311 = tpu.vector_load %arg8[%swap3A_310] {strides = array<i32>} : memref<16xf32, #tpu.memory_space<vmem>>, vector<16xf32>,
      tpu.vector_store %arg8[%swap3A_310], %max3A_309 {strides = array<i32>} : memref<16xf32, #tpu.memory_space<vmem>>, vector<16xf32>,
      %xor3A_312 = arith.constant 4 : i32
      %xor3A_313 = vector.broadcast %xor3A_312 : i32 to vector<16xi32>
      %xor3A_314 = arith.xori %iota3A, %xor3A_313 : vector<16xi32>
      %gather3A_315 = tpu.vector_load_idx %arg8[%xor3A_314] : memref<16xf32, #tpu.memory_space<vmem>>[vector<16xi32>], vector<16xf32>,
      %max3A_316 = arith.maximumf %max3A_309, %gather3A_315 : vector<16xf32>
      %swap3A_317 = arith.constant 0 : index
      %swap3A_318 = tpu.vector_load %arg8[%swap3A_317] {strides = array<i32>} : memref<16xf32, #tpu.memory_space<vmem>>, vector<16xf32>,
      tpu.vector_store %arg8[%swap3A_317], %max3A_316 {strides = array<i32>} : memref<16xf32, #tpu.memory_space<vmem>>, vector<16xf32>,
      %xor3A_319 = arith.constant 8 : i32
      %xor3A_320 = vector.broadcast %xor3A_319 : i32 to vector<16xi32>
      %xor3A_321 = arith.xori %iota3A, %xor3A_320 : vector<16xi32>
      %gather3A_322 = tpu.vector_load_idx %arg8[%xor3A_321] : memref<16xf32, #tpu.memory_space<vmem>>[vector<16xi32>], vector<16xf32>,
      %max3A_323 = arith.maximumf %max3A_316, %gather3A_322 : vector<16xf32>
      %broadcast_in_dim3A_324 = arith.constant 0.000000e+00 : f32
      %broadcast_in_dim3A_325 = vector.broadcast %broadcast_in_dim3A_324 : f32 to vector<16xf32>
      %get3A_326 = arith.constant 0 : index
      %get3A_327 = tpu.vector_load %arg5[%get3A_326] {strides = array<i32>} : memref<512xf32, #tpu.memory_space<vmem>>, vector<16xf32>,
      %get3A_328 = arith.constant 0 : index
      %get3A_329 = tpu.vector_load %arg6[%get3A_328] {strides = array<i32>} : memref<512xi32, #tpu.memory_space<vmem>>, vector<16xi32>,
      %gt3A_330 = arith.constant 0 : i32
      %gt3A_331 = vector.broadcast %gt3A_330 : i32 to vector<16xi32>
      %gt3A_332 = arith.cmpi sgt, %get3A_329, %gt3A_331 : vector<16xi32>
      %sub3A = arith.subf %get3A_327, %max3A_323 : vector<16xf32>
      %exp3A = math.exp %sub3A : vector<16xf32>
      %jit3A_333 = arith.constant 0.000000e+00 : f32
      %broadcast_in_dim3A_334 = vector.broadcast %jit3A_333 : f32 to vector<16xf32>
      %select_n3A_335 = arith.select %gt3A_332, %exp3A, %broadcast_in_dim3A_334 : vector<16xi1>, vector<16xf32>
      %swap3A_336 = arith.constant 0 : index
      %swap3A_337 = tpu.vector_load %arg7[%swap3A_336] {strides = array<i32>} : memref<512xf32, #tpu.memory_space<vmem>>, vector<16xf32>,
      tpu.vector_store %arg7[%swap3A_336], %select_n3A_335 {strides = array<i32>} : memref<512xf32, #tpu.memory_space<vmem>>, vector<16xf32>,
      %add3A_338 = arith.addf %broadcast_in_dim3A_325, %select_n3A_335 : vector<16xf32>
      %get3A_339 = arith.constant 16 : index
      %get3A_340 = tpu.vector_load %arg5[%get3A_339] {strides = array<i32>} : memref<512xf32, #tpu.memory_space<vmem>>, vector<16xf32>,
      %get3A_341 = arith.constant 16 : index
      %get3A_342 = tpu.vector_load %arg6[%get3A_341] {strides = array<i32>} : memref<512xi32, #tpu.memory_space<vmem>>, vector<16xi32>,
      %gt3A_343 = arith.constant 0 : i32
      %gt3A_344 = vector.broadcast %gt3A_343 : i32 to vector<16xi32>
      %gt3A_345 = arith.cmpi sgt, %get3A_342, %gt3A_344 : vector<16xi32>
      %sub3A_346 = arith.subf %get3A_340, %max3A_323 : vector<16xf32>
      %exp3A_347 = math.exp %sub3A_346 : vector<16xf32>
      %jit3A_348 = arith.constant 0.000000e+00 : f32
      %broadcast_in_dim3A_349 = vector.broadcast %jit3A_348 : f32 to vector<16xf32>
      %select_n3A_350 = arith.select %gt3A_345, %exp3A_347, %broadcast_in_dim3A_349 : vector<16xi1>, vector<16xf32>
      %swap3A_351 = arith.constant 16 : index
      %swap3A_352 = tpu.vector_load %arg7[%swap3A_351] {strides = array<i32>} : memref<512xf32, #tpu.memory_space<vmem>>, vector<16xf32>,
      tpu.vector_store %arg7[%swap3A_351], %select_n3A_350 {strides = array<i32>} : memref<512xf32, #tpu.memory_space<vmem>>, vector<16xf32>,
      %add3A_353 = arith.addf %add3A_338, %select_n3A_350 : vector<16xf32>
      %get3A_354 = arith.constant 32 : index
      %get3A_355 = tpu.vector_load %arg5[%get3A_354] {strides = array<i32>} : memref<512xf32, #tpu.memory_space<vmem>>, vector<16xf32>,
      %get3A_356 = arith.constant 32 : index
      %get3A_357 = tpu.vector_load %arg6[%get3A_356] {strides = array<i32>} : memref<512xi32, #tpu.memory_space<vmem>>, vector<16xi32>,
      %gt3A_358 = arith.constant 0 : i32
      %gt3A_359 = vector.broadcast %gt3A_358 : i32 to vector<16xi32>
      %gt3A_360 = arith.cmpi sgt, %get3A_357, %gt3A_359 : vector<16xi32>
      %sub3A_361 = arith.subf %get3A_355, %max3A_323 : vector<16xf32>
      %exp3A_362 = math.exp %sub3A_361 : vector<16xf32>
      %jit3A_363 = arith.constant 0.000000e+00 : f32
      %broadcast_in_dim3A_364 = vector.broadcast %jit3A_363 : f32 to vector<16xf32>
      %select_n3A_365 = arith.select %gt3A_360, %exp3A_362, %broadcast_in_dim3A_364 : vector<16xi1>, vector<16xf32>
      %swap3A_366 = arith.constant 32 : index
      %swap3A_367 = tpu.vector_load %arg7[%swap3A_366] {strides = array<i32>} : memref<512xf32, #tpu.memory_space<vmem>>, vector<16xf32>,
      tpu.vector_store %arg7[%swap3A_366], %select_n3A_365 {strides = array<i32>} : memref<512xf32, #tpu.memory_space<vmem>>, vector<16xf32>,
      %add3A_368 = arith.addf %add3A_353, %select_n3A_365 : vector<16xf32>
      %get3A_369 = arith.constant 48 : index
      %get3A_370 = tpu.vector_load %arg5[%get3A_369] {strides = array<i32>} : memref<512xf32, #tpu.memory_space<vmem>>, vector<16xf32>,
      %get3A_371 = arith.constant 48 : index
      %get3A_372 = tpu.vector_load %arg6[%get3A_371] {strides = array<i32>} : memref<512xi32, #tpu.memory_space<vmem>>, vector<16xi32>,
      %gt3A_373 = arith.constant 0 : i32
      %gt3A_374 = vector.broadcast %gt3A_373 : i32 to vector<16xi32>
      %gt3A_375 = arith.cmpi sgt, %get3A_372, %gt3A_374 : vector<16xi32>
      %sub3A_376 = arith.subf %get3A_370, %max3A_323 : vector<16xf32>
      %exp3A_377 = math.exp %sub3A_376 : vector<16xf32>
      %jit3A_378 = arith.constant 0.000000e+00 : f32
      %broadcast_in_dim3A_379 = vector.broadcast %jit3A_378 : f32 to vector<16xf32>
      %select_n3A_380 = arith.select %gt3A_375, %exp3A_377, %broadcast_in_dim3A_379 : vector<16xi1>, vector<16xf32>
      %swap3A_381 = arith.constant 48 : index
      %swap3A_382 = tpu.vector_load %arg7[%swap3A_381] {strides = array<i32>} : memref<512xf32, #tpu.memory_space<vmem>>, vector<16xf32>,
      tpu.vector_store %arg7[%swap3A_381], %select_n3A_380 {strides = array<i32>} : memref<512xf32, #tpu.memory_space<vmem>>, vector<16xf32>,
      %add3A_383 = arith.addf %add3A_368, %select_n3A_380 : vector<16xf32>
      %get3A_384 = arith.constant 64 : index
      %get3A_385 = tpu.vector_load %arg5[%get3A_384] {strides = array<i32>} : memref<512xf32, #tpu.memory_space<vmem>>, vector<16xf32>,
      %get3A_386 = arith.constant 64 : index
      %get3A_387 = tpu.vector_load %arg6[%get3A_386] {strides = array<i32>} : memref<512xi32, #tpu.memory_space<vmem>>, vector<16xi32>,
      %gt3A_388 = arith.constant 0 : i32
      %gt3A_389 = vector.broadcast %gt3A_388 : i32 to vector<16xi32>
      %gt3A_390 = arith.cmpi sgt, %get3A_387, %gt3A_389 : vector<16xi32>
      %sub3A_391 = arith.subf %get3A_385, %max3A_323 : vector<16xf32>
      %exp3A_392 = math.exp %sub3A_391 : vector<16xf32>
      %jit3A_393 = arith.constant 0.000000e+00 : f32
      %broadcast_in_dim3A_394 = vector.broadcast %jit3A_393 : f32 to vector<16xf32>
      %select_n3A_395 = arith.select %gt3A_390, %exp3A_392, %broadcast_in_dim3A_394 : vector<16xi1>, vector<16xf32>
      %swap3A_396 = arith.constant 64 : index
      %swap3A_397 = tpu.vector_load %arg7[%swap3A_396] {strides = array<i32>} : memref<512xf32, #tpu.memory_space<vmem>>, vector<16xf32>,
      tpu.vector_store %arg7[%swap3A_396], %select_n3A_395 {strides = array<i32>} : memref<512xf32, #tpu.memory_space<vmem>>, vector<16xf32>,
      %add3A_398 = arith.addf %add3A_383, %select_n3A_395 : vector<16xf32>
      %get3A_399 = arith.constant 80 : index
      %get3A_400 = tpu.vector_load %arg5[%get3A_399] {strides = array<i32>} : memref<512xf32, #tpu.memory_space<vmem>>, vector<16xf32>,
      %get3A_401 = arith.constant 80 : index
      %get3A_402 = tpu.vector_load %arg6[%get3A_401] {strides = array<i32>} : memref<512xi32, #tpu.memory_space<vmem>>, vector<16xi32>,
      %gt3A_403 = arith.constant 0 : i32
      %gt3A_404 = vector.broadcast %gt3A_403 : i32 to vector<16xi32>
      %gt3A_405 = arith.cmpi sgt, %get3A_402, %gt3A_404 : vector<16xi32>
      %sub3A_406 = arith.subf %get3A_400, %max3A_323 : vector<16xf32>
      %exp3A_407 = math.exp %sub3A_406 : vector<16xf32>
      %jit3A_408 = arith.constant 0.000000e+00 : f32
      %broadcast_in_dim3A_409 = vector.broadcast %jit3A_408 : f32 to vector<16xf32>
      %select_n3A_410 = arith.select %gt3A_405, %exp3A_407, %broadcast_in_dim3A_409 : vector<16xi1>, vector<16xf32>
      %swap3A_411 = arith.constant 80 : index
      %swap3A_412 = tpu.vector_load %arg7[%swap3A_411] {strides = array<i32>} : memref<512xf32, #tpu.memory_space<vmem>>, vector<16xf32>,
      tpu.vector_store %arg7[%swap3A_411], %select_n3A_410 {strides = array<i32>} : memref<512xf32, #tpu.memory_space<vmem>>, vector<16xf32>,
      %add3A_413 = arith.addf %add3A_398, %select_n3A_410 : vector<16xf32>
      %get3A_414 = arith.constant 96 : index
      %get3A_415 = tpu.vector_load %arg5[%get3A_414] {strides = array<i32>} : memref<512xf32, #tpu.memory_space<vmem>>, vector<16xf32>,
      %get3A_416 = arith.constant 96 : index
      %get3A_417 = tpu.vector_load %arg6[%get3A_416] {strides = array<i32>} : memref<512xi32, #tpu.memory_space<vmem>>, vector<16xi32>,
      %gt3A_418 = arith.constant 0 : i32
      %gt3A_419 = vector.broadcast %gt3A_418 : i32 to vector<16xi32>
      %gt3A_420 = arith.cmpi sgt, %get3A_417, %gt3A_419 : vector<16xi32>
      %sub3A_421 = arith.subf %get3A_415, %max3A_323 : vector<16xf32>
      %exp3A_422 = math.exp %sub3A_421 : vector<16xf32>
      %jit3A_423 = arith.constant 0.000000e+00 : f32
      %broadcast_in_dim3A_424 = vector.broadcast %jit3A_423 : f32 to vector<16xf32>
      %select_n3A_425 = arith.select %gt3A_420, %exp3A_422, %broadcast_in_dim3A_424 : vector<16xi1>, vector<16xf32>
      %swap3A_426 = arith.constant 96 : index
      %swap3A_427 = tpu.vector_load %arg7[%swap3A_426] {strides = array<i32>} : memref<512xf32, #tpu.memory_space<vmem>>, vector<16xf32>,
      tpu.vector_store %arg7[%swap3A_426], %select_n3A_425 {strides = array<i32>} : memref<512xf32, #tpu.memory_space<vmem>>, vector<16xf32>,
      %add3A_428 = arith.addf %add3A_413, %select_n3A_425 : vector<16xf32>
      %get3A_429 = arith.constant 112 : index
      %get3A_430 = tpu.vector_load %arg5[%get3A_429] {strides = array<i32>} : memref<512xf32, #tpu.memory_space<vmem>>, vector<16xf32>,
      %get3A_431 = arith.constant 112 : index
      %get3A_432 = tpu.vector_load %arg6[%get3A_431] {strides = array<i32>} : memref<512xi32, #tpu.memory_space<vmem>>, vector<16xi32>,
      %gt3A_433 = arith.constant 0 : i32
      %gt3A_434 = vector.broadcast %gt3A_433 : i32 to vector<16xi32>
      %gt3A_435 = arith.cmpi sgt, %get3A_432, %gt3A_434 : vector<16xi32>
      %sub3A_436 = arith.subf %get3A_430, %max3A_323 : vector<16xf32>
      %exp3A_437 = math.exp %sub3A_436 : vector<16xf32>
      %jit3A_438 = arith.constant 0.000000e+00 : f32
      %broadcast_in_dim3A_439 = vector.broadcast %jit3A_438 : f32 to vector<16xf32>
      %select_n3A_440 = arith.select %gt3A_435, %exp3A_437, %broadcast_in_dim3A_439 : vector<16xi1>, vector<16xf32>
      %swap3A_441 = arith.constant 112 : index
      %swap3A_442 = tpu.vector_load %arg7[%swap3A_441] {strides = array<i32>} : memref<512xf32, #tpu.memory_space<vmem>>, vector<16xf32>,
      tpu.vector_store %arg7[%swap3A_441], %select_n3A_440 {strides = array<i32>} : memref<512xf32, #tpu.memory_space<vmem>>, vector<16xf32>,
      %add3A_443 = arith.addf %add3A_428, %select_n3A_440 : vector<16xf32>
      %get3A_444 = arith.constant 128 : index
      %get3A_445 = tpu.vector_load %arg5[%get3A_444] {strides = array<i32>} : memref<512xf32, #tpu.memory_space<vmem>>, vector<16xf32>,
      %get3A_446 = arith.constant 128 : index
      %get3A_447 = tpu.vector_load %arg6[%get3A_446] {strides = array<i32>} : memref<512xi32, #tpu.memory_space<vmem>>, vector<16xi32>,
      %gt3A_448 = arith.constant 0 : i32
      %gt3A_449 = vector.broadcast %gt3A_448 : i32 to vector<16xi32>
      %gt3A_450 = arith.cmpi sgt, %get3A_447, %gt3A_449 : vector<16xi32>
      %sub3A_451 = arith.subf %get3A_445, %max3A_323 : vector<16xf32>
      %exp3A_452 = math.exp %sub3A_451 : vector<16xf32>
      %jit3A_453 = arith.constant 0.000000e+00 : f32
      %broadcast_in_dim3A_454 = vector.broadcast %jit3A_453 : f32 to vector<16xf32>
      %select_n3A_455 = arith.select %gt3A_450, %exp3A_452, %broadcast_in_dim3A_454 : vector<16xi1>, vector<16xf32>
      %swap3A_456 = arith.constant 128 : index
      %swap3A_457 = tpu.vector_load %arg7[%swap3A_456] {strides = array<i32>} : memref<512xf32, #tpu.memory_space<vmem>>, vector<16xf32>,
      tpu.vector_store %arg7[%swap3A_456], %select_n3A_455 {strides = array<i32>} : memref<512xf32, #tpu.memory_space<vmem>>, vector<16xf32>,
      %add3A_458 = arith.addf %add3A_443, %select_n3A_455 : vector<16xf32>
      %get3A_459 = arith.constant 144 : index
      %get3A_460 = tpu.vector_load %arg5[%get3A_459] {strides = array<i32>} : memref<512xf32, #tpu.memory_space<vmem>>, vector<16xf32>,
      %get3A_461 = arith.constant 144 : index
      %get3A_462 = tpu.vector_load %arg6[%get3A_461] {strides = array<i32>} : memref<512xi32, #tpu.memory_space<vmem>>, vector<16xi32>,
      %gt3A_463 = arith.constant 0 : i32
      %gt3A_464 = vector.broadcast %gt3A_463 : i32 to vector<16xi32>
      %gt3A_465 = arith.cmpi sgt, %get3A_462, %gt3A_464 : vector<16xi32>
      %sub3A_466 = arith.subf %get3A_460, %max3A_323 : vector<16xf32>
      %exp3A_467 = math.exp %sub3A_466 : vector<16xf32>
      %jit3A_468 = arith.constant 0.000000e+00 : f32
      %broadcast_in_dim3A_469 = vector.broadcast %jit3A_468 : f32 to vector<16xf32>
      %select_n3A_470 = arith.select %gt3A_465, %exp3A_467, %broadcast_in_dim3A_469 : vector<16xi1>, vector<16xf32>
      %swap3A_471 = arith.constant 144 : index
      %swap3A_472 = tpu.vector_load %arg7[%swap3A_471] {strides = array<i32>} : memref<512xf32, #tpu.memory_space<vmem>>, vector<16xf32>,
      tpu.vector_store %arg7[%swap3A_471], %select_n3A_470 {strides = array<i32>} : memref<512xf32, #tpu.memory_space<vmem>>, vector<16xf32>,
      %add3A_473 = arith.addf %add3A_458, %select_n3A_470 : vector<16xf32>
      %get3A_474 = arith.constant 160 : index
      %get3A_475 = tpu.vector_load %arg5[%get3A_474] {strides = array<i32>} : memref<512xf32, #tpu.memory_space<vmem>>, vector<16xf32>,
      %get3A_476 = arith.constant 160 : index
      %get3A_477 = tpu.vector_load %arg6[%get3A_476] {strides = array<i32>} : memref<512xi32, #tpu.memory_space<vmem>>, vector<16xi32>,
      %gt3A_478 = arith.constant 0 : i32
      %gt3A_479 = vector.broadcast %gt3A_478 : i32 to vector<16xi32>
      %gt3A_480 = arith.cmpi sgt, %get3A_477, %gt3A_479 : vector<16xi32>
      %sub3A_481 = arith.subf %get3A_475, %max3A_323 : vector<16xf32>
      %exp3A_482 = math.exp %sub3A_481 : vector<16xf32>
      %jit3A_483 = arith.constant 0.000000e+00 : f32
      %broadcast_in_dim3A_484 = vector.broadcast %jit3A_483 : f32 to vector<16xf32>
      %select_n3A_485 = arith.select %gt3A_480, %exp3A_482, %broadcast_in_dim3A_484 : vector<16xi1>, vector<16xf32>
      %swap3A_486 = arith.constant 160 : index
      %swap3A_487 = tpu.vector_load %arg7[%swap3A_486] {strides = array<i32>} : memref<512xf32, #tpu.memory_space<vmem>>, vector<16xf32>,
      tpu.vector_store %arg7[%swap3A_486], %select_n3A_485 {strides = array<i32>} : memref<512xf32, #tpu.memory_space<vmem>>, vector<16xf32>,
      %add3A_488 = arith.addf %add3A_473, %select_n3A_485 : vector<16xf32>
      %get3A_489 = arith.constant 176 : index
      %get3A_490 = tpu.vector_load %arg5[%get3A_489] {strides = array<i32>} : memref<512xf32, #tpu.memory_space<vmem>>, vector<16xf32>,
      %get3A_491 = arith.constant 176 : index
      %get3A_492 = tpu.vector_load %arg6[%get3A_491] {strides = array<i32>} : memref<512xi32, #tpu.memory_space<vmem>>, vector<16xi32>,
      %gt3A_493 = arith.constant 0 : i32
      %gt3A_494 = vector.broadcast %gt3A_493 : i32 to vector<16xi32>
      %gt3A_495 = arith.cmpi sgt, %get3A_492, %gt3A_494 : vector<16xi32>
      %sub3A_496 = arith.subf %get3A_490, %max3A_323 : vector<16xf32>
      %exp3A_497 = math.exp %sub3A_496 : vector<16xf32>
      %jit3A_498 = arith.constant 0.000000e+00 : f32
      %broadcast_in_dim3A_499 = vector.broadcast %jit3A_498 : f32 to vector<16xf32>
      %select_n3A_500 = arith.select %gt3A_495, %exp3A_497, %broadcast_in_dim3A_499 : vector<16xi1>, vector<16xf32>
      %swap3A_501 = arith.constant 176 : index
      %swap3A_502 = tpu.vector_load %arg7[%swap3A_501] {strides = array<i32>} : memref<512xf32, #tpu.memory_space<vmem>>, vector<16xf32>,
      tpu.vector_store %arg7[%swap3A_501], %select_n3A_500 {strides = array<i32>} : memref<512xf32, #tpu.memory_space<vmem>>, vector<16xf32>,
      %add3A_503 = arith.addf %add3A_488, %select_n3A_500 : vector<16xf32>
      %get3A_504 = arith.constant 192 : index
      %get3A_505 = tpu.vector_load %arg5[%get3A_504] {strides = array<i32>} : memref<512xf32, #tpu.memory_space<vmem>>, vector<16xf32>,
      %get3A_506 = arith.constant 192 : index
      %get3A_507 = tpu.vector_load %arg6[%get3A_506] {strides = array<i32>} : memref<512xi32, #tpu.memory_space<vmem>>, vector<16xi32>,
      %gt3A_508 = arith.constant 0 : i32
      %gt3A_509 = vector.broadcast %gt3A_508 : i32 to vector<16xi32>
      %gt3A_510 = arith.cmpi sgt, %get3A_507, %gt3A_509 : vector<16xi32>
      %sub3A_511 = arith.subf %get3A_505, %max3A_323 : vector<16xf32>
      %exp3A_512 = math.exp %sub3A_511 : vector<16xf32>
      %jit3A_513 = arith.constant 0.000000e+00 : f32
      %broadcast_in_dim3A_514 = vector.broadcast %jit3A_513 : f32 to vector<16xf32>
      %select_n3A_515 = arith.select %gt3A_510, %exp3A_512, %broadcast_in_dim3A_514 : vector<16xi1>, vector<16xf32>
      %swap3A_516 = arith.constant 192 : index
      %swap3A_517 = tpu.vector_load %arg7[%swap3A_516] {strides = array<i32>} : memref<512xf32, #tpu.memory_space<vmem>>, vector<16xf32>,
      tpu.vector_store %arg7[%swap3A_516], %select_n3A_515 {strides = array<i32>} : memref<512xf32, #tpu.memory_space<vmem>>, vector<16xf32>,
      %add3A_518 = arith.addf %add3A_503, %select_n3A_515 : vector<16xf32>
      %get3A_519 = arith.constant 208 : index
      %get3A_520 = tpu.vector_load %arg5[%get3A_519] {strides = array<i32>} : memref<512xf32, #tpu.memory_space<vmem>>, vector<16xf32>,
      %get3A_521 = arith.constant 208 : index
      %get3A_522 = tpu.vector_load %arg6[%get3A_521] {strides = array<i32>} : memref<512xi32, #tpu.memory_space<vmem>>, vector<16xi32>,
      %gt3A_523 = arith.constant 0 : i32
      %gt3A_524 = vector.broadcast %gt3A_523 : i32 to vector<16xi32>
      %gt3A_525 = arith.cmpi sgt, %get3A_522, %gt3A_524 : vector<16xi32>
      %sub3A_526 = arith.subf %get3A_520, %max3A_323 : vector<16xf32>
      %exp3A_527 = math.exp %sub3A_526 : vector<16xf32>
      %jit3A_528 = arith.constant 0.000000e+00 : f32
      %broadcast_in_dim3A_529 = vector.broadcast %jit3A_528 : f32 to vector<16xf32>
      %select_n3A_530 = arith.select %gt3A_525, %exp3A_527, %broadcast_in_dim3A_529 : vector<16xi1>, vector<16xf32>
      %swap3A_531 = arith.constant 208 : index
      %swap3A_532 = tpu.vector_load %arg7[%swap3A_531] {strides = array<i32>} : memref<512xf32, #tpu.memory_space<vmem>>, vector<16xf32>,
      tpu.vector_store %arg7[%swap3A_531], %select_n3A_530 {strides = array<i32>} : memref<512xf32, #tpu.memory_space<vmem>>, vector<16xf32>,
      %add3A_533 = arith.addf %add3A_518, %select_n3A_530 : vector<16xf32>
      %get3A_534 = arith.constant 224 : index
      %get3A_535 = tpu.vector_load %arg5[%get3A_534] {strides = array<i32>} : memref<512xf32, #tpu.memory_space<vmem>>, vector<16xf32>,
      %get3A_536 = arith.constant 224 : index
      %get3A_537 = tpu.vector_load %arg6[%get3A_536] {strides = array<i32>} : memref<512xi32, #tpu.memory_space<vmem>>, vector<16xi32>,
      %gt3A_538 = arith.constant 0 : i32
      %gt3A_539 = vector.broadcast %gt3A_538 : i32 to vector<16xi32>
      %gt3A_540 = arith.cmpi sgt, %get3A_537, %gt3A_539 : vector<16xi32>
      %sub3A_541 = arith.subf %get3A_535, %max3A_323 : vector<16xf32>
      %exp3A_542 = math.exp %sub3A_541 : vector<16xf32>
      %jit3A_543 = arith.constant 0.000000e+00 : f32
      %broadcast_in_dim3A_544 = vector.broadcast %jit3A_543 : f32 to vector<16xf32>
      %select_n3A_545 = arith.select %gt3A_540, %exp3A_542, %broadcast_in_dim3A_544 : vector<16xi1>, vector<16xf32>
      %swap3A_546 = arith.constant 224 : index
      %swap3A_547 = tpu.vector_load %arg7[%swap3A_546] {strides = array<i32>} : memref<512xf32, #tpu.memory_space<vmem>>, vector<16xf32>,
      tpu.vector_store %arg7[%swap3A_546], %select_n3A_545 {strides = array<i32>} : memref<512xf32, #tpu.memory_space<vmem>>, vector<16xf32>,
      %add3A_548 = arith.addf %add3A_533, %select_n3A_545 : vector<16xf32>
      %get3A_549 = arith.constant 240 : index
      %get3A_550 = tpu.vector_load %arg5[%get3A_549] {strides = array<i32>} : memref<512xf32, #tpu.memory_space<vmem>>, vector<16xf32>,
      %get3A_551 = arith.constant 240 : index
      %get3A_552 = tpu.vector_load %arg6[%get3A_551] {strides = array<i32>} : memref<512xi32, #tpu.memory_space<vmem>>, vector<16xi32>,
      %gt3A_553 = arith.constant 0 : i32
      %gt3A_554 = vector.broadcast %gt3A_553 : i32 to vector<16xi32>
      %gt3A_555 = arith.cmpi sgt, %get3A_552, %gt3A_554 : vector<16xi32>
      %sub3A_556 = arith.subf %get3A_550, %max3A_323 : vector<16xf32>
      %exp3A_557 = math.exp %sub3A_556 : vector<16xf32>
      %jit3A_558 = arith.constant 0.000000e+00 : f32
      %broadcast_in_dim3A_559 = vector.broadcast %jit3A_558 : f32 to vector<16xf32>
      %select_n3A_560 = arith.select %gt3A_555, %exp3A_557, %broadcast_in_dim3A_559 : vector<16xi1>, vector<16xf32>
      %swap3A_561 = arith.constant 240 : index
      %swap3A_562 = tpu.vector_load %arg7[%swap3A_561] {strides = array<i32>} : memref<512xf32, #tpu.memory_space<vmem>>, vector<16xf32>,
      tpu.vector_store %arg7[%swap3A_561], %select_n3A_560 {strides = array<i32>} : memref<512xf32, #tpu.memory_space<vmem>>, vector<16xf32>,
      %add3A_563 = arith.addf %add3A_548, %select_n3A_560 : vector<16xf32>
      %get3A_564 = arith.constant 256 : index
      %get3A_565 = tpu.vector_load %arg5[%get3A_564] {strides = array<i32>} : memref<512xf32, #tpu.memory_space<vmem>>, vector<16xf32>,
      %get3A_566 = arith.constant 256 : index
      %get3A_567 = tpu.vector_load %arg6[%get3A_566] {strides = array<i32>} : memref<512xi32, #tpu.memory_space<vmem>>, vector<16xi32>,
      %gt3A_568 = arith.constant 0 : i32
      %gt3A_569 = vector.broadcast %gt3A_568 : i32 to vector<16xi32>
      %gt3A_570 = arith.cmpi sgt, %get3A_567, %gt3A_569 : vector<16xi32>
      %sub3A_571 = arith.subf %get3A_565, %max3A_323 : vector<16xf32>
      %exp3A_572 = math.exp %sub3A_571 : vector<16xf32>
      %jit3A_573 = arith.constant 0.000000e+00 : f32
      %broadcast_in_dim3A_574 = vector.broadcast %jit3A_573 : f32 to vector<16xf32>
      %select_n3A_575 = arith.select %gt3A_570, %exp3A_572, %broadcast_in_dim3A_574 : vector<16xi1>, vector<16xf32>
      %swap3A_576 = arith.constant 256 : index
      %swap3A_577 = tpu.vector_load %arg7[%swap3A_576] {strides = array<i32>} : memref<512xf32, #tpu.memory_space<vmem>>, vector<16xf32>,
      tpu.vector_store %arg7[%swap3A_576], %select_n3A_575 {strides = array<i32>} : memref<512xf32, #tpu.memory_space<vmem>>, vector<16xf32>,
      %add3A_578 = arith.addf %add3A_563, %select_n3A_575 : vector<16xf32>
      %get3A_579 = arith.constant 272 : index
      %get3A_580 = tpu.vector_load %arg5[%get3A_579] {strides = array<i32>} : memref<512xf32, #tpu.memory_space<vmem>>, vector<16xf32>,
      %get3A_581 = arith.constant 272 : index
      %get3A_582 = tpu.vector_load %arg6[%get3A_581] {strides = array<i32>} : memref<512xi32, #tpu.memory_space<vmem>>, vector<16xi32>,
      %gt3A_583 = arith.constant 0 : i32
      %gt3A_584 = vector.broadcast %gt3A_583 : i32 to vector<16xi32>
      %gt3A_585 = arith.cmpi sgt, %get3A_582, %gt3A_584 : vector<16xi32>
      %sub3A_586 = arith.subf %get3A_580, %max3A_323 : vector<16xf32>
      %exp3A_587 = math.exp %sub3A_586 : vector<16xf32>
      %jit3A_588 = arith.constant 0.000000e+00 : f32
      %broadcast_in_dim3A_589 = vector.broadcast %jit3A_588 : f32 to vector<16xf32>
      %select_n3A_590 = arith.select %gt3A_585, %exp3A_587, %broadcast_in_dim3A_589 : vector<16xi1>, vector<16xf32>
      %swap3A_591 = arith.constant 272 : index
      %swap3A_592 = tpu.vector_load %arg7[%swap3A_591] {strides = array<i32>} : memref<512xf32, #tpu.memory_space<vmem>>, vector<16xf32>,
      tpu.vector_store %arg7[%swap3A_591], %select_n3A_590 {strides = array<i32>} : memref<512xf32, #tpu.memory_space<vmem>>, vector<16xf32>,
      %add3A_593 = arith.addf %add3A_578, %select_n3A_590 : vector<16xf32>
      %get3A_594 = arith.constant 288 : index
      %get3A_595 = tpu.vector_load %arg5[%get3A_594] {strides = array<i32>} : memref<512xf32, #tpu.memory_space<vmem>>, vector<16xf32>,
      %get3A_596 = arith.constant 288 : index
      %get3A_597 = tpu.vector_load %arg6[%get3A_596] {strides = array<i32>} : memref<512xi32, #tpu.memory_space<vmem>>, vector<16xi32>,
      %gt3A_598 = arith.constant 0 : i32
      %gt3A_599 = vector.broadcast %gt3A_598 : i32 to vector<16xi32>
      %gt3A_600 = arith.cmpi sgt, %get3A_597, %gt3A_599 : vector<16xi32>
      %sub3A_601 = arith.subf %get3A_595, %max3A_323 : vector<16xf32>
      %exp3A_602 = math.exp %sub3A_601 : vector<16xf32>
      %jit3A_603 = arith.constant 0.000000e+00 : f32
      %broadcast_in_dim3A_604 = vector.broadcast %jit3A_603 : f32 to vector<16xf32>
      %select_n3A_605 = arith.select %gt3A_600, %exp3A_602, %broadcast_in_dim3A_604 : vector<16xi1>, vector<16xf32>
      %swap3A_606 = arith.constant 288 : index
      %swap3A_607 = tpu.vector_load %arg7[%swap3A_606] {strides = array<i32>} : memref<512xf32, #tpu.memory_space<vmem>>, vector<16xf32>,
      tpu.vector_store %arg7[%swap3A_606], %select_n3A_605 {strides = array<i32>} : memref<512xf32, #tpu.memory_space<vmem>>, vector<16xf32>,
      %add3A_608 = arith.addf %add3A_593, %select_n3A_605 : vector<16xf32>
      %get3A_609 = arith.constant 304 : index
      %get3A_610 = tpu.vector_load %arg5[%get3A_609] {strides = array<i32>} : memref<512xf32, #tpu.memory_space<vmem>>, vector<16xf32>,
      %get3A_611 = arith.constant 304 : index
      %get3A_612 = tpu.vector_load %arg6[%get3A_611] {strides = array<i32>} : memref<512xi32, #tpu.memory_space<vmem>>, vector<16xi32>,
      %gt3A_613 = arith.constant 0 : i32
      %gt3A_614 = vector.broadcast %gt3A_613 : i32 to vector<16xi32>
      %gt3A_615 = arith.cmpi sgt, %get3A_612, %gt3A_614 : vector<16xi32>
      %sub3A_616 = arith.subf %get3A_610, %max3A_323 : vector<16xf32>
      %exp3A_617 = math.exp %sub3A_616 : vector<16xf32>
      %jit3A_618 = arith.constant 0.000000e+00 : f32
      %broadcast_in_dim3A_619 = vector.broadcast %jit3A_618 : f32 to vector<16xf32>
      %select_n3A_620 = arith.select %gt3A_615, %exp3A_617, %broadcast_in_dim3A_619 : vector<16xi1>, vector<16xf32>
      %swap3A_621 = arith.constant 304 : index
      %swap3A_622 = tpu.vector_load %arg7[%swap3A_621] {strides = array<i32>} : memref<512xf32, #tpu.memory_space<vmem>>, vector<16xf32>,
      tpu.vector_store %arg7[%swap3A_621], %select_n3A_620 {strides = array<i32>} : memref<512xf32, #tpu.memory_space<vmem>>, vector<16xf32>,
      %add3A_623 = arith.addf %add3A_608, %select_n3A_620 : vector<16xf32>
      %get3A_624 = arith.constant 320 : index
      %get3A_625 = tpu.vector_load %arg5[%get3A_624] {strides = array<i32>} : memref<512xf32, #tpu.memory_space<vmem>>, vector<16xf32>,
      %get3A_626 = arith.constant 320 : index
      %get3A_627 = tpu.vector_load %arg6[%get3A_626] {strides = array<i32>} : memref<512xi32, #tpu.memory_space<vmem>>, vector<16xi32>,
      %gt3A_628 = arith.constant 0 : i32
      %gt3A_629 = vector.broadcast %gt3A_628 : i32 to vector<16xi32>
      %gt3A_630 = arith.cmpi sgt, %get3A_627, %gt3A_629 : vector<16xi32>
      %sub3A_631 = arith.subf %get3A_625, %max3A_323 : vector<16xf32>
      %exp3A_632 = math.exp %sub3A_631 : vector<16xf32>
      %jit3A_633 = arith.constant 0.000000e+00 : f32
      %broadcast_in_dim3A_634 = vector.broadcast %jit3A_633 : f32 to vector<16xf32>
      %select_n3A_635 = arith.select %gt3A_630, %exp3A_632, %broadcast_in_dim3A_634 : vector<16xi1>, vector<16xf32>
      %swap3A_636 = arith.constant 320 : index
      %swap3A_637 = tpu.vector_load %arg7[%swap3A_636] {strides = array<i32>} : memref<512xf32, #tpu.memory_space<vmem>>, vector<16xf32>,
      tpu.vector_store %arg7[%swap3A_636], %select_n3A_635 {strides = array<i32>} : memref<512xf32, #tpu.memory_space<vmem>>, vector<16xf32>,
      %add3A_638 = arith.addf %add3A_623, %select_n3A_635 : vector<16xf32>
      %get3A_639 = arith.constant 336 : index
      %get3A_640 = tpu.vector_load %arg5[%get3A_639] {strides = array<i32>} : memref<512xf32, #tpu.memory_space<vmem>>, vector<16xf32>,
      %get3A_641 = arith.constant 336 : index
      %get3A_642 = tpu.vector_load %arg6[%get3A_641] {strides = array<i32>} : memref<512xi32, #tpu.memory_space<vmem>>, vector<16xi32>,
      %gt3A_643 = arith.constant 0 : i32
      %gt3A_644 = vector.broadcast %gt3A_643 : i32 to vector<16xi32>
      %gt3A_645 = arith.cmpi sgt, %get3A_642, %gt3A_644 : vector<16xi32>
      %sub3A_646 = arith.subf %get3A_640, %max3A_323 : vector<16xf32>
      %exp3A_647 = math.exp %sub3A_646 : vector<16xf32>
      %jit3A_648 = arith.constant 0.000000e+00 : f32
      %broadcast_in_dim3A_649 = vector.broadcast %jit3A_648 : f32 to vector<16xf32>
      %select_n3A_650 = arith.select %gt3A_645, %exp3A_647, %broadcast_in_dim3A_649 : vector<16xi1>, vector<16xf32>
      %swap3A_651 = arith.constant 336 : index
      %swap3A_652 = tpu.vector_load %arg7[%swap3A_651] {strides = array<i32>} : memref<512xf32, #tpu.memory_space<vmem>>, vector<16xf32>,
      tpu.vector_store %arg7[%swap3A_651], %select_n3A_650 {strides = array<i32>} : memref<512xf32, #tpu.memory_space<vmem>>, vector<16xf32>,
      %add3A_653 = arith.addf %add3A_638, %select_n3A_650 : vector<16xf32>
      %get3A_654 = arith.constant 352 : index
      %get3A_655 = tpu.vector_load %arg5[%get3A_654] {strides = array<i32>} : memref<512xf32, #tpu.memory_space<vmem>>, vector<16xf32>,
      %get3A_656 = arith.constant 352 : index
      %get3A_657 = tpu.vector_load %arg6[%get3A_656] {strides = array<i32>} : memref<512xi32, #tpu.memory_space<vmem>>, vector<16xi32>,
      %gt3A_658 = arith.constant 0 : i32
      %gt3A_659 = vector.broadcast %gt3A_658 : i32 to vector<16xi32>
      %gt3A_660 = arith.cmpi sgt, %get3A_657, %gt3A_659 : vector<16xi32>
      %sub3A_661 = arith.subf %get3A_655, %max3A_323 : vector<16xf32>
      %exp3A_662 = math.exp %sub3A_661 : vector<16xf32>
      %jit3A_663 = arith.constant 0.000000e+00 : f32
      %broadcast_in_dim3A_664 = vector.broadcast %jit3A_663 : f32 to vector<16xf32>
      %select_n3A_665 = arith.select %gt3A_660, %exp3A_662, %broadcast_in_dim3A_664 : vector<16xi1>, vector<16xf32>
      %swap3A_666 = arith.constant 352 : index
      %swap3A_667 = tpu.vector_load %arg7[%swap3A_666] {strides = array<i32>} : memref<512xf32, #tpu.memory_space<vmem>>, vector<16xf32>,
      tpu.vector_store %arg7[%swap3A_666], %select_n3A_665 {strides = array<i32>} : memref<512xf32, #tpu.memory_space<vmem>>, vector<16xf32>,
      %add3A_668 = arith.addf %add3A_653, %select_n3A_665 : vector<16xf32>
      %get3A_669 = arith.constant 368 : index
      %get3A_670 = tpu.vector_load %arg5[%get3A_669] {strides = array<i32>} : memref<512xf32, #tpu.memory_space<vmem>>, vector<16xf32>,
      %get3A_671 = arith.constant 368 : index
      %get3A_672 = tpu.vector_load %arg6[%get3A_671] {strides = array<i32>} : memref<512xi32, #tpu.memory_space<vmem>>, vector<16xi32>,
      %gt3A_673 = arith.constant 0 : i32
      %gt3A_674 = vector.broadcast %gt3A_673 : i32 to vector<16xi32>
      %gt3A_675 = arith.cmpi sgt, %get3A_672, %gt3A_674 : vector<16xi32>
      %sub3A_676 = arith.subf %get3A_670, %max3A_323 : vector<16xf32>
      %exp3A_677 = math.exp %sub3A_676 : vector<16xf32>
      %jit3A_678 = arith.constant 0.000000e+00 : f32
      %broadcast_in_dim3A_679 = vector.broadcast %jit3A_678 : f32 to vector<16xf32>
      %select_n3A_680 = arith.select %gt3A_675, %exp3A_677, %broadcast_in_dim3A_679 : vector<16xi1>, vector<16xf32>
      %swap3A_681 = arith.constant 368 : index
      %swap3A_682 = tpu.vector_load %arg7[%swap3A_681] {strides = array<i32>} : memref<512xf32, #tpu.memory_space<vmem>>, vector<16xf32>,
      tpu.vector_store %arg7[%swap3A_681], %select_n3A_680 {strides = array<i32>} : memref<512xf32, #tpu.memory_space<vmem>>, vector<16xf32>,
      %add3A_683 = arith.addf %add3A_668, %select_n3A_680 : vector<16xf32>
      %get3A_684 = arith.constant 384 : index
      %get3A_685 = tpu.vector_load %arg5[%get3A_684] {strides = array<i32>} : memref<512xf32, #tpu.memory_space<vmem>>, vector<16xf32>,
      %get3A_686 = arith.constant 384 : index
      %get3A_687 = tpu.vector_load %arg6[%get3A_686] {strides = array<i32>} : memref<512xi32, #tpu.memory_space<vmem>>, vector<16xi32>,
      %gt3A_688 = arith.constant 0 : i32
      %gt3A_689 = vector.broadcast %gt3A_688 : i32 to vector<16xi32>
      %gt3A_690 = arith.cmpi sgt, %get3A_687, %gt3A_689 : vector<16xi32>
      %sub3A_691 = arith.subf %get3A_685, %max3A_323 : vector<16xf32>
      %exp3A_692 = math.exp %sub3A_691 : vector<16xf32>
      %jit3A_693 = arith.constant 0.000000e+00 : f32
      %broadcast_in_dim3A_694 = vector.broadcast %jit3A_693 : f32 to vector<16xf32>
      %select_n3A_695 = arith.select %gt3A_690, %exp3A_692, %broadcast_in_dim3A_694 : vector<16xi1>, vector<16xf32>
      %swap3A_696 = arith.constant 384 : index
      %swap3A_697 = tpu.vector_load %arg7[%swap3A_696] {strides = array<i32>} : memref<512xf32, #tpu.memory_space<vmem>>, vector<16xf32>,
      tpu.vector_store %arg7[%swap3A_696], %select_n3A_695 {strides = array<i32>} : memref<512xf32, #tpu.memory_space<vmem>>, vector<16xf32>,
      %add3A_698 = arith.addf %add3A_683, %select_n3A_695 : vector<16xf32>
      %get3A_699 = arith.constant 400 : index
      %get3A_700 = tpu.vector_load %arg5[%get3A_699] {strides = array<i32>} : memref<512xf32, #tpu.memory_space<vmem>>, vector<16xf32>,
      %get3A_701 = arith.constant 400 : index
      %get3A_702 = tpu.vector_load %arg6[%get3A_701] {strides = array<i32>} : memref<512xi32, #tpu.memory_space<vmem>>, vector<16xi32>,
      %gt3A_703 = arith.constant 0 : i32
      %gt3A_704 = vector.broadcast %gt3A_703 : i32 to vector<16xi32>
      %gt3A_705 = arith.cmpi sgt, %get3A_702, %gt3A_704 : vector<16xi32>
      %sub3A_706 = arith.subf %get3A_700, %max3A_323 : vector<16xf32>
      %exp3A_707 = math.exp %sub3A_706 : vector<16xf32>
      %jit3A_708 = arith.constant 0.000000e+00 : f32
      %broadcast_in_dim3A_709 = vector.broadcast %jit3A_708 : f32 to vector<16xf32>
      %select_n3A_710 = arith.select %gt3A_705, %exp3A_707, %broadcast_in_dim3A_709 : vector<16xi1>, vector<16xf32>
      %swap3A_711 = arith.constant 400 : index
      %swap3A_712 = tpu.vector_load %arg7[%swap3A_711] {strides = array<i32>} : memref<512xf32, #tpu.memory_space<vmem>>, vector<16xf32>,
      tpu.vector_store %arg7[%swap3A_711], %select_n3A_710 {strides = array<i32>} : memref<512xf32, #tpu.memory_space<vmem>>, vector<16xf32>,
      %add3A_713 = arith.addf %add3A_698, %select_n3A_710 : vector<16xf32>
      %get3A_714 = arith.constant 416 : index
      %get3A_715 = tpu.vector_load %arg5[%get3A_714] {strides = array<i32>} : memref<512xf32, #tpu.memory_space<vmem>>, vector<16xf32>,
      %get3A_716 = arith.constant 416 : index
      %get3A_717 = tpu.vector_load %arg6[%get3A_716] {strides = array<i32>} : memref<512xi32, #tpu.memory_space<vmem>>, vector<16xi32>,
      %gt3A_718 = arith.constant 0 : i32
      %gt3A_719 = vector.broadcast %gt3A_718 : i32 to vector<16xi32>
      %gt3A_720 = arith.cmpi sgt, %get3A_717, %gt3A_719 : vector<16xi32>
      %sub3A_721 = arith.subf %get3A_715, %max3A_323 : vector<16xf32>
      %exp3A_722 = math.exp %sub3A_721 : vector<16xf32>
      %jit3A_723 = arith.constant 0.000000e+00 : f32
      %broadcast_in_dim3A_724 = vector.broadcast %jit3A_723 : f32 to vector<16xf32>
      %select_n3A_725 = arith.select %gt3A_720, %exp3A_722, %broadcast_in_dim3A_724 : vector<16xi1>, vector<16xf32>
      %swap3A_726 = arith.constant 416 : index
      %swap3A_727 = tpu.vector_load %arg7[%swap3A_726] {strides = array<i32>} : memref<512xf32, #tpu.memory_space<vmem>>, vector<16xf32>,
      tpu.vector_store %arg7[%swap3A_726], %select_n3A_725 {strides = array<i32>} : memref<512xf32, #tpu.memory_space<vmem>>, vector<16xf32>,
      %add3A_728 = arith.addf %add3A_713, %select_n3A_725 : vector<16xf32>
      %get3A_729 = arith.constant 432 : index
      %get3A_730 = tpu.vector_load %arg5[%get3A_729] {strides = array<i32>} : memref<512xf32, #tpu.memory_space<vmem>>, vector<16xf32>,
      %get3A_731 = arith.constant 432 : index
      %get3A_732 = tpu.vector_load %arg6[%get3A_731] {strides = array<i32>} : memref<512xi32, #tpu.memory_space<vmem>>, vector<16xi32>,
      %gt3A_733 = arith.constant 0 : i32
      %gt3A_734 = vector.broadcast %gt3A_733 : i32 to vector<16xi32>
      %gt3A_735 = arith.cmpi sgt, %get3A_732, %gt3A_734 : vector<16xi32>
      %sub3A_736 = arith.subf %get3A_730, %max3A_323 : vector<16xf32>
      %exp3A_737 = math.exp %sub3A_736 : vector<16xf32>
      %jit3A_738 = arith.constant 0.000000e+00 : f32
      %broadcast_in_dim3A_739 = vector.broadcast %jit3A_738 : f32 to vector<16xf32>
      %select_n3A_740 = arith.select %gt3A_735, %exp3A_737, %broadcast_in_dim3A_739 : vector<16xi1>, vector<16xf32>
      %swap3A_741 = arith.constant 432 : index
      %swap3A_742 = tpu.vector_load %arg7[%swap3A_741] {strides = array<i32>} : memref<512xf32, #tpu.memory_space<vmem>>, vector<16xf32>,
      tpu.vector_store %arg7[%swap3A_741], %select_n3A_740 {strides = array<i32>} : memref<512xf32, #tpu.memory_space<vmem>>, vector<16xf32>,
      %add3A_743 = arith.addf %add3A_728, %select_n3A_740 : vector<16xf32>
      %get3A_744 = arith.constant 448 : index
      %get3A_745 = tpu.vector_load %arg5[%get3A_744] {strides = array<i32>} : memref<512xf32, #tpu.memory_space<vmem>>, vector<16xf32>,
      %get3A_746 = arith.constant 448 : index
      %get3A_747 = tpu.vector_load %arg6[%get3A_746] {strides = array<i32>} : memref<512xi32, #tpu.memory_space<vmem>>, vector<16xi32>,
      %gt3A_748 = arith.constant 0 : i32
      %gt3A_749 = vector.broadcast %gt3A_748 : i32 to vector<16xi32>
      %gt3A_750 = arith.cmpi sgt, %get3A_747, %gt3A_749 : vector<16xi32>
      %sub3A_751 = arith.subf %get3A_745, %max3A_323 : vector<16xf32>
      %exp3A_752 = math.exp %sub3A_751 : vector<16xf32>
      %jit3A_753 = arith.constant 0.000000e+00 : f32
      %broadcast_in_dim3A_754 = vector.broadcast %jit3A_753 : f32 to vector<16xf32>
      %select_n3A_755 = arith.select %gt3A_750, %exp3A_752, %broadcast_in_dim3A_754 : vector<16xi1>, vector<16xf32>
      %swap3A_756 = arith.constant 448 : index
      %swap3A_757 = tpu.vector_load %arg7[%swap3A_756] {strides = array<i32>} : memref<512xf32, #tpu.memory_space<vmem>>, vector<16xf32>,
      tpu.vector_store %arg7[%swap3A_756], %select_n3A_755 {strides = array<i32>} : memref<512xf32, #tpu.memory_space<vmem>>, vector<16xf32>,
      %add3A_758 = arith.addf %add3A_743, %select_n3A_755 : vector<16xf32>
      %get3A_759 = arith.constant 464 : index
      %get3A_760 = tpu.vector_load %arg5[%get3A_759] {strides = array<i32>} : memref<512xf32, #tpu.memory_space<vmem>>, vector<16xf32>,
      %get3A_761 = arith.constant 464 : index
      %get3A_762 = tpu.vector_load %arg6[%get3A_761] {strides = array<i32>} : memref<512xi32, #tpu.memory_space<vmem>>, vector<16xi32>,
      %gt3A_763 = arith.constant 0 : i32
      %gt3A_764 = vector.broadcast %gt3A_763 : i32 to vector<16xi32>
      %gt3A_765 = arith.cmpi sgt, %get3A_762, %gt3A_764 : vector<16xi32>
      %sub3A_766 = arith.subf %get3A_760, %max3A_323 : vector<16xf32>
      %exp3A_767 = math.exp %sub3A_766 : vector<16xf32>
      %jit3A_768 = arith.constant 0.000000e+00 : f32
      %broadcast_in_dim3A_769 = vector.broadcast %jit3A_768 : f32 to vector<16xf32>
      %select_n3A_770 = arith.select %gt3A_765, %exp3A_767, %broadcast_in_dim3A_769 : vector<16xi1>, vector<16xf32>
      %swap3A_771 = arith.constant 464 : index
      %swap3A_772 = tpu.vector_load %arg7[%swap3A_771] {strides = array<i32>} : memref<512xf32, #tpu.memory_space<vmem>>, vector<16xf32>,
      tpu.vector_store %arg7[%swap3A_771], %select_n3A_770 {strides = array<i32>} : memref<512xf32, #tpu.memory_space<vmem>>, vector<16xf32>,
      %add3A_773 = arith.addf %add3A_758, %select_n3A_770 : vector<16xf32>
      %get3A_774 = arith.constant 480 : index
      %get3A_775 = tpu.vector_load %arg5[%get3A_774] {strides = array<i32>} : memref<512xf32, #tpu.memory_space<vmem>>, vector<16xf32>,
      %get3A_776 = arith.constant 480 : index
      %get3A_777 = tpu.vector_load %arg6[%get3A_776] {strides = array<i32>} : memref<512xi32, #tpu.memory_space<vmem>>, vector<16xi32>,
      %gt3A_778 = arith.constant 0 : i32
      %gt3A_779 = vector.broadcast %gt3A_778 : i32 to vector<16xi32>
      %gt3A_780 = arith.cmpi sgt, %get3A_777, %gt3A_779 : vector<16xi32>
      %sub3A_781 = arith.subf %get3A_775, %max3A_323 : vector<16xf32>
      %exp3A_782 = math.exp %sub3A_781 : vector<16xf32>
      %jit3A_783 = arith.constant 0.000000e+00 : f32
      %broadcast_in_dim3A_784 = vector.broadcast %jit3A_783 : f32 to vector<16xf32>
      %select_n3A_785 = arith.select %gt3A_780, %exp3A_782, %broadcast_in_dim3A_784 : vector<16xi1>, vector<16xf32>
      %swap3A_786 = arith.constant 480 : index
      %swap3A_787 = tpu.vector_load %arg7[%swap3A_786] {strides = array<i32>} : memref<512xf32, #tpu.memory_space<vmem>>, vector<16xf32>,
      tpu.vector_store %arg7[%swap3A_786], %select_n3A_785 {strides = array<i32>} : memref<512xf32, #tpu.memory_space<vmem>>, vector<16xf32>,
      %add3A_788 = arith.addf %add3A_773, %select_n3A_785 : vector<16xf32>
      %get3A_789 = arith.constant 496 : index
      %get3A_790 = tpu.vector_load %arg5[%get3A_789] {strides = array<i32>} : memref<512xf32, #tpu.memory_space<vmem>>, vector<16xf32>,
      %get3A_791 = arith.constant 496 : index
      %get3A_792 = tpu.vector_load %arg6[%get3A_791] {strides = array<i32>} : memref<512xi32, #tpu.memory_space<vmem>>, vector<16xi32>,
      %gt3A_793 = arith.constant 0 : i32
      %gt3A_794 = vector.broadcast %gt3A_793 : i32 to vector<16xi32>
      %gt3A_795 = arith.cmpi sgt, %get3A_792, %gt3A_794 : vector<16xi32>
      %sub3A_796 = arith.subf %get3A_790, %max3A_323 : vector<16xf32>
      %exp3A_797 = math.exp %sub3A_796 : vector<16xf32>
      %jit3A_798 = arith.constant 0.000000e+00 : f32
      %broadcast_in_dim3A_799 = vector.broadcast %jit3A_798 : f32 to vector<16xf32>
      %select_n3A_800 = arith.select %gt3A_795, %exp3A_797, %broadcast_in_dim3A_799 : vector<16xi1>, vector<16xf32>
      %swap3A_801 = arith.constant 496 : index
      %swap3A_802 = tpu.vector_load %arg7[%swap3A_801] {strides = array<i32>} : memref<512xf32, #tpu.memory_space<vmem>>, vector<16xf32>,
      tpu.vector_store %arg7[%swap3A_801], %select_n3A_800 {strides = array<i32>} : memref<512xf32, #tpu.memory_space<vmem>>, vector<16xf32>,
      %add3A_803 = arith.addf %add3A_788, %select_n3A_800 : vector<16xf32>
      %iota3A_804 = tpu.iota {dimensions = array<i32: 0>} : vector<16xi32>
      %swap3A_805 = arith.constant 0 : index
      %swap3A_806 = tpu.vector_load %arg8[%swap3A_805] {strides = array<i32>} : memref<16xf32, #tpu.memory_space<vmem>>, vector<16xf32>,
      tpu.vector_store %arg8[%swap3A_805], %add3A_803 {strides = array<i32>} : memref<16xf32, #tpu.memory_space<vmem>>, vector<16xf32>,
      %xor3A_807 = arith.constant 1 : i32
      %xor3A_808 = vector.broadcast %xor3A_807 : i32 to vector<16xi32>
      %xor3A_809 = arith.xori %iota3A_804, %xor3A_808 : vector<16xi32>
      %gather3A_810 = tpu.vector_load_idx %arg8[%xor3A_809] : memref<16xf32, #tpu.memory_space<vmem>>[vector<16xi32>], vector<16xf32>,
      %add3A_811 = arith.addf %add3A_803, %gather3A_810 : vector<16xf32>
      %swap3A_812 = arith.constant 0 : index
      %swap3A_813 = tpu.vector_load %arg8[%swap3A_812] {strides = array<i32>} : memref<16xf32, #tpu.memory_space<vmem>>, vector<16xf32>,
      tpu.vector_store %arg8[%swap3A_812], %add3A_811 {strides = array<i32>} : memref<16xf32, #tpu.memory_space<vmem>>, vector<16xf32>,
      %xor3A_814 = arith.constant 2 : i32
      %xor3A_815 = vector.broadcast %xor3A_814 : i32 to vector<16xi32>
      %xor3A_816 = arith.xori %iota3A_804, %xor3A_815 : vector<16xi32>
      %gather3A_817 = tpu.vector_load_idx %arg8[%xor3A_816] : memref<16xf32, #tpu.memory_space<vmem>>[vector<16xi32>], vector<16xf32>,
      %add3A_818 = arith.addf %add3A_811, %gather3A_817 : vector<16xf32>
      %swap3A_819 = arith.constant 0 : index
      %swap3A_820 = tpu.vector_load %arg8[%swap3A_819] {strides = array<i32>} : memref<16xf32, #tpu.memory_space<vmem>>, vector<16xf32>,
      tpu.vector_store %arg8[%swap3A_819], %add3A_818 {strides = array<i32>} : memref<16xf32, #tpu.memory_space<vmem>>, vector<16xf32>,
      %xor3A_821 = arith.constant 4 : i32
      %xor3A_822 = vector.broadcast %xor3A_821 : i32 to vector<16xi32>
      %xor3A_823 = arith.xori %iota3A_804, %xor3A_822 : vector<16xi32>
      %gather3A_824 = tpu.vector_load_idx %arg8[%xor3A_823] : memref<16xf32, #tpu.memory_space<vmem>>[vector<16xi32>], vector<16xf32>,
      %add3A_825 = arith.addf %add3A_818, %gather3A_824 : vector<16xf32>
      %swap3A_826 = arith.constant 0 : index
      %swap3A_827 = tpu.vector_load %arg8[%swap3A_826] {strides = array<i32>} : memref<16xf32, #tpu.memory_space<vmem>>, vector<16xf32>,
      tpu.vector_store %arg8[%swap3A_826], %add3A_825 {strides = array<i32>} : memref<16xf32, #tpu.memory_space<vmem>>, vector<16xf32>,
      %xor3A_828 = arith.constant 8 : i32
      %xor3A_829 = vector.broadcast %xor3A_828 : i32 to vector<16xi32>
      %xor3A_830 = arith.xori %iota3A_804, %xor3A_829 : vector<16xi32>
      %gather3A_831 = tpu.vector_load_idx %arg8[%xor3A_830] : memref<16xf32, #tpu.memory_space<vmem>>[vector<16xi32>], vector<16xf32>,
      %add3A_832 = arith.addf %add3A_825, %gather3A_831 : vector<16xf32>
      %max3A_833 = arith.constant 1.000000e-30 : f32
      %max3A_834 = vector.broadcast %max3A_833 : f32 to vector<16xf32>
      %max3A_835 = arith.maximumf %add3A_832, %max3A_834 : vector<16xf32>
      %div3A = arith.constant 1.000000e+00 : f32
      %div3A_836 = vector.broadcast %div3A : f32 to vector<16xf32>
      %div3A_837 = arith.divf %div3A_836, %max3A_835 : vector<16xf32>
      %get3A_838 = arith.constant 0 : index
      %get3A_839 = tpu.vector_load %arg7[%get3A_838] {strides = array<i32>} : memref<512xf32, #tpu.memory_space<vmem>>, vector<16xf32>,
      %mul3A_840 = arith.mulf %get3A_839, %div3A_837 : vector<16xf32>
      %swap3A_841 = arith.constant 0 : index
      %swap3A_842 = tpu.vector_load %arg7[%swap3A_841] {strides = array<i32>} : memref<512xf32, #tpu.memory_space<vmem>>, vector<16xf32>,
      tpu.vector_store %arg7[%swap3A_841], %mul3A_840 {strides = array<i32>} : memref<512xf32, #tpu.memory_space<vmem>>, vector<16xf32>,
      %get3A_843 = arith.constant 16 : index
      %get3A_844 = tpu.vector_load %arg7[%get3A_843] {strides = array<i32>} : memref<512xf32, #tpu.memory_space<vmem>>, vector<16xf32>,
      %mul3A_845 = arith.mulf %get3A_844, %div3A_837 : vector<16xf32>
      %swap3A_846 = arith.constant 16 : index
      %swap3A_847 = tpu.vector_load %arg7[%swap3A_846] {strides = array<i32>} : memref<512xf32, #tpu.memory_space<vmem>>, vector<16xf32>,
      tpu.vector_store %arg7[%swap3A_846], %mul3A_845 {strides = array<i32>} : memref<512xf32, #tpu.memory_space<vmem>>, vector<16xf32>,
      %get3A_848 = arith.constant 32 : index
      %get3A_849 = tpu.vector_load %arg7[%get3A_848] {strides = array<i32>} : memref<512xf32, #tpu.memory_space<vmem>>, vector<16xf32>,
      %mul3A_850 = arith.mulf %get3A_849, %div3A_837 : vector<16xf32>
      %swap3A_851 = arith.constant 32 : index
      %swap3A_852 = tpu.vector_load %arg7[%swap3A_851] {strides = array<i32>} : memref<512xf32, #tpu.memory_space<vmem>>, vector<16xf32>,
      tpu.vector_store %arg7[%swap3A_851], %mul3A_850 {strides = array<i32>} : memref<512xf32, #tpu.memory_space<vmem>>, vector<16xf32>,
      %get3A_853 = arith.constant 48 : index
      %get3A_854 = tpu.vector_load %arg7[%get3A_853] {strides = array<i32>} : memref<512xf32, #tpu.memory_space<vmem>>, vector<16xf32>,
      %mul3A_855 = arith.mulf %get3A_854, %div3A_837 : vector<16xf32>
      %swap3A_856 = arith.constant 48 : index
      %swap3A_857 = tpu.vector_load %arg7[%swap3A_856] {strides = array<i32>} : memref<512xf32, #tpu.memory_space<vmem>>, vector<16xf32>,
      tpu.vector_store %arg7[%swap3A_856], %mul3A_855 {strides = array<i32>} : memref<512xf32, #tpu.memory_space<vmem>>, vector<16xf32>,
      %get3A_858 = arith.constant 64 : index
      %get3A_859 = tpu.vector_load %arg7[%get3A_858] {strides = array<i32>} : memref<512xf32, #tpu.memory_space<vmem>>, vector<16xf32>,
      %mul3A_860 = arith.mulf %get3A_859, %div3A_837 : vector<16xf32>
      %swap3A_861 = arith.constant 64 : index
      %swap3A_862 = tpu.vector_load %arg7[%swap3A_861] {strides = array<i32>} : memref<512xf32, #tpu.memory_space<vmem>>, vector<16xf32>,
      tpu.vector_store %arg7[%swap3A_861], %mul3A_860 {strides = array<i32>} : memref<512xf32, #tpu.memory_space<vmem>>, vector<16xf32>,
      %get3A_863 = arith.constant 80 : index
      %get3A_864 = tpu.vector_load %arg7[%get3A_863] {strides = array<i32>} : memref<512xf32, #tpu.memory_space<vmem>>, vector<16xf32>,
      %mul3A_865 = arith.mulf %get3A_864, %div3A_837 : vector<16xf32>
      %swap3A_866 = arith.constant 80 : index
      %swap3A_867 = tpu.vector_load %arg7[%swap3A_866] {strides = array<i32>} : memref<512xf32, #tpu.memory_space<vmem>>, vector<16xf32>,
      tpu.vector_store %arg7[%swap3A_866], %mul3A_865 {strides = array<i32>} : memref<512xf32, #tpu.memory_space<vmem>>, vector<16xf32>,
      %get3A_868 = arith.constant 96 : index
      %get3A_869 = tpu.vector_load %arg7[%get3A_868] {strides = array<i32>} : memref<512xf32, #tpu.memory_space<vmem>>, vector<16xf32>,
      %mul3A_870 = arith.mulf %get3A_869, %div3A_837 : vector<16xf32>
      %swap3A_871 = arith.constant 96 : index
      %swap3A_872 = tpu.vector_load %arg7[%swap3A_871] {strides = array<i32>} : memref<512xf32, #tpu.memory_space<vmem>>, vector<16xf32>,
      tpu.vector_store %arg7[%swap3A_871], %mul3A_870 {strides = array<i32>} : memref<512xf32, #tpu.memory_space<vmem>>, vector<16xf32>,
      %get3A_873 = arith.constant 112 : index
      %get3A_874 = tpu.vector_load %arg7[%get3A_873] {strides = array<i32>} : memref<512xf32, #tpu.memory_space<vmem>>, vector<16xf32>,
      %mul3A_875 = arith.mulf %get3A_874, %div3A_837 : vector<16xf32>
      %swap3A_876 = arith.constant 112 : index
      %swap3A_877 = tpu.vector_load %arg7[%swap3A_876] {strides = array<i32>} : memref<512xf32, #tpu.memory_space<vmem>>, vector<16xf32>,
      tpu.vector_store %arg7[%swap3A_876], %mul3A_875 {strides = array<i32>} : memref<512xf32, #tpu.memory_space<vmem>>, vector<16xf32>,
      %get3A_878 = arith.constant 128 : index
      %get3A_879 = tpu.vector_load %arg7[%get3A_878] {strides = array<i32>} : memref<512xf32, #tpu.memory_space<vmem>>, vector<16xf32>,
      %mul3A_880 = arith.mulf %get3A_879, %div3A_837 : vector<16xf32>
      %swap3A_881 = arith.constant 128 : index
      %swap3A_882 = tpu.vector_load %arg7[%swap3A_881] {strides = array<i32>} : memref<512xf32, #tpu.memory_space<vmem>>, vector<16xf32>,
      tpu.vector_store %arg7[%swap3A_881], %mul3A_880 {strides = array<i32>} : memref<512xf32, #tpu.memory_space<vmem>>, vector<16xf32>,
      %get3A_883 = arith.constant 144 : index
      %get3A_884 = tpu.vector_load %arg7[%get3A_883] {strides = array<i32>} : memref<512xf32, #tpu.memory_space<vmem>>, vector<16xf32>,
      %mul3A_885 = arith.mulf %get3A_884, %div3A_837 : vector<16xf32>
      %swap3A_886 = arith.constant 144 : index
      %swap3A_887 = tpu.vector_load %arg7[%swap3A_886] {strides = array<i32>} : memref<512xf32, #tpu.memory_space<vmem>>, vector<16xf32>,
      tpu.vector_store %arg7[%swap3A_886], %mul3A_885 {strides = array<i32>} : memref<512xf32, #tpu.memory_space<vmem>>, vector<16xf32>,
      %get3A_888 = arith.constant 160 : index
      %get3A_889 = tpu.vector_load %arg7[%get3A_888] {strides = array<i32>} : memref<512xf32, #tpu.memory_space<vmem>>, vector<16xf32>,
      %mul3A_890 = arith.mulf %get3A_889, %div3A_837 : vector<16xf32>
      %swap3A_891 = arith.constant 160 : index
      %swap3A_892 = tpu.vector_load %arg7[%swap3A_891] {strides = array<i32>} : memref<512xf32, #tpu.memory_space<vmem>>, vector<16xf32>,
      tpu.vector_store %arg7[%swap3A_891], %mul3A_890 {strides = array<i32>} : memref<512xf32, #tpu.memory_space<vmem>>, vector<16xf32>,
      %get3A_893 = arith.constant 176 : index
      %get3A_894 = tpu.vector_load %arg7[%get3A_893] {strides = array<i32>} : memref<512xf32, #tpu.memory_space<vmem>>, vector<16xf32>,
      %mul3A_895 = arith.mulf %get3A_894, %div3A_837 : vector<16xf32>
      %swap3A_896 = arith.constant 176 : index
      %swap3A_897 = tpu.vector_load %arg7[%swap3A_896] {strides = array<i32>} : memref<512xf32, #tpu.memory_space<vmem>>, vector<16xf32>,
      tpu.vector_store %arg7[%swap3A_896], %mul3A_895 {strides = array<i32>} : memref<512xf32, #tpu.memory_space<vmem>>, vector<16xf32>,
      %get3A_898 = arith.constant 192 : index
      %get3A_899 = tpu.vector_load %arg7[%get3A_898] {strides = array<i32>} : memref<512xf32, #tpu.memory_space<vmem>>, vector<16xf32>,
      %mul3A_900 = arith.mulf %get3A_899, %div3A_837 : vector<16xf32>
      %swap3A_901 = arith.constant 192 : index
      %swap3A_902 = tpu.vector_load %arg7[%swap3A_901] {strides = array<i32>} : memref<512xf32, #tpu.memory_space<vmem>>, vector<16xf32>,
      tpu.vector_store %arg7[%swap3A_901], %mul3A_900 {strides = array<i32>} : memref<512xf32, #tpu.memory_space<vmem>>, vector<16xf32>,
      %get3A_903 = arith.constant 208 : index
      %get3A_904 = tpu.vector_load %arg7[%get3A_903] {strides = array<i32>} : memref<512xf32, #tpu.memory_space<vmem>>, vector<16xf32>,
      %mul3A_905 = arith.mulf %get3A_904, %div3A_837 : vector<16xf32>
      %swap3A_906 = arith.constant 208 : index
      %swap3A_907 = tpu.vector_load %arg7[%swap3A_906] {strides = array<i32>} : memref<512xf32, #tpu.memory_space<vmem>>, vector<16xf32>,
      tpu.vector_store %arg7[%swap3A_906], %mul3A_905 {strides = array<i32>} : memref<512xf32, #tpu.memory_space<vmem>>, vector<16xf32>,
      %get3A_908 = arith.constant 224 : index
      %get3A_909 = tpu.vector_load %arg7[%get3A_908] {strides = array<i32>} : memref<512xf32, #tpu.memory_space<vmem>>, vector<16xf32>,
      %mul3A_910 = arith.mulf %get3A_909, %div3A_837 : vector<16xf32>
      %swap3A_911 = arith.constant 224 : index
      %swap3A_912 = tpu.vector_load %arg7[%swap3A_911] {strides = array<i32>} : memref<512xf32, #tpu.memory_space<vmem>>, vector<16xf32>,
      tpu.vector_store %arg7[%swap3A_911], %mul3A_910 {strides = array<i32>} : memref<512xf32, #tpu.memory_space<vmem>>, vector<16xf32>,
      %get3A_913 = arith.constant 240 : index
      %get3A_914 = tpu.vector_load %arg7[%get3A_913] {strides = array<i32>} : memref<512xf32, #tpu.memory_space<vmem>>, vector<16xf32>,
      %mul3A_915 = arith.mulf %get3A_914, %div3A_837 : vector<16xf32>
      %swap3A_916 = arith.constant 240 : index
      %swap3A_917 = tpu.vector_load %arg7[%swap3A_916] {strides = array<i32>} : memref<512xf32, #tpu.memory_space<vmem>>, vector<16xf32>,
      tpu.vector_store %arg7[%swap3A_916], %mul3A_915 {strides = array<i32>} : memref<512xf32, #tpu.memory_space<vmem>>, vector<16xf32>,
      %get3A_918 = arith.constant 256 : index
      %get3A_919 = tpu.vector_load %arg7[%get3A_918] {strides = array<i32>} : memref<512xf32, #tpu.memory_space<vmem>>, vector<16xf32>,
      %mul3A_920 = arith.mulf %get3A_919, %div3A_837 : vector<16xf32>
      %swap3A_921 = arith.constant 256 : index
      %swap3A_922 = tpu.vector_load %arg7[%swap3A_921] {strides = array<i32>} : memref<512xf32, #tpu.memory_space<vmem>>, vector<16xf32>,
      tpu.vector_store %arg7[%swap3A_921], %mul3A_920 {strides = array<i32>} : memref<512xf32, #tpu.memory_space<vmem>>, vector<16xf32>,
      %get3A_923 = arith.constant 272 : index
      %get3A_924 = tpu.vector_load %arg7[%get3A_923] {strides = array<i32>} : memref<512xf32, #tpu.memory_space<vmem>>, vector<16xf32>,
      %mul3A_925 = arith.mulf %get3A_924, %div3A_837 : vector<16xf32>
      %swap3A_926 = arith.constant 272 : index
      %swap3A_927 = tpu.vector_load %arg7[%swap3A_926] {strides = array<i32>} : memref<512xf32, #tpu.memory_space<vmem>>, vector<16xf32>,
      tpu.vector_store %arg7[%swap3A_926], %mul3A_925 {strides = array<i32>} : memref<512xf32, #tpu.memory_space<vmem>>, vector<16xf32>,
      %get3A_928 = arith.constant 288 : index
      %get3A_929 = tpu.vector_load %arg7[%get3A_928] {strides = array<i32>} : memref<512xf32, #tpu.memory_space<vmem>>, vector<16xf32>,
      %mul3A_930 = arith.mulf %get3A_929, %div3A_837 : vector<16xf32>
      %swap3A_931 = arith.constant 288 : index
      %swap3A_932 = tpu.vector_load %arg7[%swap3A_931] {strides = array<i32>} : memref<512xf32, #tpu.memory_space<vmem>>, vector<16xf32>,
      tpu.vector_store %arg7[%swap3A_931], %mul3A_930 {strides = array<i32>} : memref<512xf32, #tpu.memory_space<vmem>>, vector<16xf32>,
      %get3A_933 = arith.constant 304 : index
      %get3A_934 = tpu.vector_load %arg7[%get3A_933] {strides = array<i32>} : memref<512xf32, #tpu.memory_space<vmem>>, vector<16xf32>,
      %mul3A_935 = arith.mulf %get3A_934, %div3A_837 : vector<16xf32>
      %swap3A_936 = arith.constant 304 : index
      %swap3A_937 = tpu.vector_load %arg7[%swap3A_936] {strides = array<i32>} : memref<512xf32, #tpu.memory_space<vmem>>, vector<16xf32>,
      tpu.vector_store %arg7[%swap3A_936], %mul3A_935 {strides = array<i32>} : memref<512xf32, #tpu.memory_space<vmem>>, vector<16xf32>,
      %get3A_938 = arith.constant 320 : index
      %get3A_939 = tpu.vector_load %arg7[%get3A_938] {strides = array<i32>} : memref<512xf32, #tpu.memory_space<vmem>>, vector<16xf32>,
      %mul3A_940 = arith.mulf %get3A_939, %div3A_837 : vector<16xf32>
      %swap3A_941 = arith.constant 320 : index
      %swap3A_942 = tpu.vector_load %arg7[%swap3A_941] {strides = array<i32>} : memref<512xf32, #tpu.memory_space<vmem>>, vector<16xf32>,
      tpu.vector_store %arg7[%swap3A_941], %mul3A_940 {strides = array<i32>} : memref<512xf32, #tpu.memory_space<vmem>>, vector<16xf32>,
      %get3A_943 = arith.constant 336 : index
      %get3A_944 = tpu.vector_load %arg7[%get3A_943] {strides = array<i32>} : memref<512xf32, #tpu.memory_space<vmem>>, vector<16xf32>,
      %mul3A_945 = arith.mulf %get3A_944, %div3A_837 : vector<16xf32>
      %swap3A_946 = arith.constant 336 : index
      %swap3A_947 = tpu.vector_load %arg7[%swap3A_946] {strides = array<i32>} : memref<512xf32, #tpu.memory_space<vmem>>, vector<16xf32>,
      tpu.vector_store %arg7[%swap3A_946], %mul3A_945 {strides = array<i32>} : memref<512xf32, #tpu.memory_space<vmem>>, vector<16xf32>,
      %get3A_948 = arith.constant 352 : index
      %get3A_949 = tpu.vector_load %arg7[%get3A_948] {strides = array<i32>} : memref<512xf32, #tpu.memory_space<vmem>>, vector<16xf32>,
      %mul3A_950 = arith.mulf %get3A_949, %div3A_837 : vector<16xf32>
      %swap3A_951 = arith.constant 352 : index
      %swap3A_952 = tpu.vector_load %arg7[%swap3A_951] {strides = array<i32>} : memref<512xf32, #tpu.memory_space<vmem>>, vector<16xf32>,
      tpu.vector_store %arg7[%swap3A_951], %mul3A_950 {strides = array<i32>} : memref<512xf32, #tpu.memory_space<vmem>>, vector<16xf32>,
      %get3A_953 = arith.constant 368 : index
      %get3A_954 = tpu.vector_load %arg7[%get3A_953] {strides = array<i32>} : memref<512xf32, #tpu.memory_space<vmem>>, vector<16xf32>,
      %mul3A_955 = arith.mulf %get3A_954, %div3A_837 : vector<16xf32>
      %swap3A_956 = arith.constant 368 : index
      %swap3A_957 = tpu.vector_load %arg7[%swap3A_956] {strides = array<i32>} : memref<512xf32, #tpu.memory_space<vmem>>, vector<16xf32>,
      tpu.vector_store %arg7[%swap3A_956], %mul3A_955 {strides = array<i32>} : memref<512xf32, #tpu.memory_space<vmem>>, vector<16xf32>,
      %get3A_958 = arith.constant 384 : index
      %get3A_959 = tpu.vector_load %arg7[%get3A_958] {strides = array<i32>} : memref<512xf32, #tpu.memory_space<vmem>>, vector<16xf32>,
      %mul3A_960 = arith.mulf %get3A_959, %div3A_837 : vector<16xf32>
      %swap3A_961 = arith.constant 384 : index
      %swap3A_962 = tpu.vector_load %arg7[%swap3A_961] {strides = array<i32>} : memref<512xf32, #tpu.memory_space<vmem>>, vector<16xf32>,
      tpu.vector_store %arg7[%swap3A_961], %mul3A_960 {strides = array<i32>} : memref<512xf32, #tpu.memory_space<vmem>>, vector<16xf32>,
      %get3A_963 = arith.constant 400 : index
      %get3A_964 = tpu.vector_load %arg7[%get3A_963] {strides = array<i32>} : memref<512xf32, #tpu.memory_space<vmem>>, vector<16xf32>,
      %mul3A_965 = arith.mulf %get3A_964, %div3A_837 : vector<16xf32>
      %swap3A_966 = arith.constant 400 : index
      %swap3A_967 = tpu.vector_load %arg7[%swap3A_966] {strides = array<i32>} : memref<512xf32, #tpu.memory_space<vmem>>, vector<16xf32>,
      tpu.vector_store %arg7[%swap3A_966], %mul3A_965 {strides = array<i32>} : memref<512xf32, #tpu.memory_space<vmem>>, vector<16xf32>,
      %get3A_968 = arith.constant 416 : index
      %get3A_969 = tpu.vector_load %arg7[%get3A_968] {strides = array<i32>} : memref<512xf32, #tpu.memory_space<vmem>>, vector<16xf32>,
      %mul3A_970 = arith.mulf %get3A_969, %div3A_837 : vector<16xf32>
      %swap3A_971 = arith.constant 416 : index
      %swap3A_972 = tpu.vector_load %arg7[%swap3A_971] {strides = array<i32>} : memref<512xf32, #tpu.memory_space<vmem>>, vector<16xf32>,
      tpu.vector_store %arg7[%swap3A_971], %mul3A_970 {strides = array<i32>} : memref<512xf32, #tpu.memory_space<vmem>>, vector<16xf32>,
      %get3A_973 = arith.constant 432 : index
      %get3A_974 = tpu.vector_load %arg7[%get3A_973] {strides = array<i32>} : memref<512xf32, #tpu.memory_space<vmem>>, vector<16xf32>,
      %mul3A_975 = arith.mulf %get3A_974, %div3A_837 : vector<16xf32>
      %swap3A_976 = arith.constant 432 : index
      %swap3A_977 = tpu.vector_load %arg7[%swap3A_976] {strides = array<i32>} : memref<512xf32, #tpu.memory_space<vmem>>, vector<16xf32>,
      tpu.vector_store %arg7[%swap3A_976], %mul3A_975 {strides = array<i32>} : memref<512xf32, #tpu.memory_space<vmem>>, vector<16xf32>,
      %get3A_978 = arith.constant 448 : index
      %get3A_979 = tpu.vector_load %arg7[%get3A_978] {strides = array<i32>} : memref<512xf32, #tpu.memory_space<vmem>>, vector<16xf32>,
      %mul3A_980 = arith.mulf %get3A_979, %div3A_837 : vector<16xf32>
      %swap3A_981 = arith.constant 448 : index
      %swap3A_982 = tpu.vector_load %arg7[%swap3A_981] {strides = array<i32>} : memref<512xf32, #tpu.memory_space<vmem>>, vector<16xf32>,
      tpu.vector_store %arg7[%swap3A_981], %mul3A_980 {strides = array<i32>} : memref<512xf32, #tpu.memory_space<vmem>>, vector<16xf32>,
      %get3A_983 = arith.constant 464 : index
      %get3A_984 = tpu.vector_load %arg7[%get3A_983] {strides = array<i32>} : memref<512xf32, #tpu.memory_space<vmem>>, vector<16xf32>,
      %mul3A_985 = arith.mulf %get3A_984, %div3A_837 : vector<16xf32>
      %swap3A_986 = arith.constant 464 : index
      %swap3A_987 = tpu.vector_load %arg7[%swap3A_986] {strides = array<i32>} : memref<512xf32, #tpu.memory_space<vmem>>, vector<16xf32>,
      tpu.vector_store %arg7[%swap3A_986], %mul3A_985 {strides = array<i32>} : memref<512xf32, #tpu.memory_space<vmem>>, vector<16xf32>,
      %get3A_988 = arith.constant 480 : index
      %get3A_989 = tpu.vector_load %arg7[%get3A_988] {strides = array<i32>} : memref<512xf32, #tpu.memory_space<vmem>>, vector<16xf32>,
      %mul3A_990 = arith.mulf %get3A_989, %div3A_837 : vector<16xf32>
      %swap3A_991 = arith.constant 480 : index
      %swap3A_992 = tpu.vector_load %arg7[%swap3A_991] {strides = array<i32>} : memref<512xf32, #tpu.memory_space<vmem>>, vector<16xf32>,
      tpu.vector_store %arg7[%swap3A_991], %mul3A_990 {strides = array<i32>} : memref<512xf32, #tpu.memory_space<vmem>>, vector<16xf32>,
      %get3A_993 = arith.constant 496 : index
      %get3A_994 = tpu.vector_load %arg7[%get3A_993] {strides = array<i32>} : memref<512xf32, #tpu.memory_space<vmem>>, vector<16xf32>,
      %mul3A_995 = arith.mulf %get3A_994, %div3A_837 : vector<16xf32>
      %swap3A_996 = arith.constant 496 : index
      %swap3A_997 = tpu.vector_load %arg7[%swap3A_996] {strides = array<i32>} : memref<512xf32, #tpu.memory_space<vmem>>, vector<16xf32>,
      tpu.vector_store %arg7[%swap3A_996], %mul3A_995 {strides = array<i32>} : memref<512xf32, #tpu.memory_space<vmem>>, vector<16xf32>,
      "tpu.region"() ({
        %run_scoped3A = tpu.sem_alloc : memref<!tpu.dma_semaphore, #tpu.memory_space<semaphore_mem>>
        %dma_start3A = arith.constant 0 : i32
        %dma_start3A_998 = tpu.memref_slice %arg4[%add3A, %dma_start3A] : memref<8x512xf32, #tpu.memory_space<hbm>> -> memref<1x512xf32, #tpu.memory_space<hbm>>
        %dma_start3A_999 = tpu.memref_squeeze %dma_start3A_998 : memref<1x512xf32, #tpu.memory_space<hbm>> -> memref<512xf32, #tpu.memory_space<hbm>>
        %dma_start3A_1000 = arith.constant 0 : i32
        %dma_start3A_1001 = tpu.memref_slice %arg4[%add3A, %dma_start3A_1000] : memref<8x512xf32, #tpu.memory_space<hbm>> -> memref<1x512xf32, #tpu.memory_space<hbm>>
        %dma_start3A_1002 = tpu.memref_squeeze %dma_start3A_1001 : memref<1x512xf32, #tpu.memory_space<hbm>> -> memref<512xf32, #tpu.memory_space<hbm>>
        tpu.enqueue_dma source(%arg7 : memref<512xf32, #tpu.memory_space<vmem>>) target(%dma_start3A_1002 : memref<512xf32, #tpu.memory_space<hbm>>) target_semaphore(%run_scoped3A : memref<!tpu.dma_semaphore, #tpu.memory_space<semaphore_mem>>)
        %dma_wait3A = arith.constant 0 : i32
        %dma_wait3A_1003 = tpu.memref_slice %arg4[%add3A, %dma_wait3A] : memref<8x512xf32, #tpu.memory_space<hbm>> -> memref<1x512xf32, #tpu.memory_space<hbm>>
        %dma_wait3A_1004 = tpu.memref_squeeze %dma_wait3A_1003 : memref<1x512xf32, #tpu.memory_space<hbm>> -> memref<512xf32, #tpu.memory_space<hbm>>
        %dma_wait3A_1005 = arith.constant 0 : i32
        %dma_wait3A_1006 = tpu.memref_slice %arg4[%add3A, %dma_wait3A_1005] : memref<8x512xf32, #tpu.memory_space<hbm>> -> memref<1x512xf32, #tpu.memory_space<hbm>>
        %dma_wait3A_1007 = tpu.memref_squeeze %dma_wait3A_1006 : memref<1x512xf32, #tpu.memory_space<hbm>> -> memref<512xf32, #tpu.memory_space<hbm>>
        tpu.wait_dma2 semaphore(%run_scoped3A : memref<!tpu.dma_semaphore, #tpu.memory_space<semaphore_mem>>) src(%arg7 : memref<512xf32, #tpu.memory_space<vmem>>) dst(%dma_wait3A_1007 : memref<512xf32, #tpu.memory_space<hbm>>)
        tpu.yield
      }) : () -> ()
    } else {
    }
    return
  }
}

module attributes {stable_mosaic.version = 14 : i64} {
  func.func @_tc_body(%arg0: i32, %arg1: memref<512x768xf32, #tpu.memory_space<vmem>>, %arg2: memref<769x768xf32, #tpu.memory_space<vmem>>, %arg3: memref<1x768xf32, #tpu.memory_space<vmem>>, %arg4: memref<1x768xf32, #tpu.memory_space<vmem>>, %arg5: memref<512x1xi32, #tpu.memory_space<vmem>>, %arg6: memref<2x512xf32, #tpu.memory_space<vmem>>) attributes {dimension_semantics = [#tpu.dimension_semantics<arbitrary>], iteration_bounds = array<i64: 4>, scalar_prefetch = 0 : i64, scratch_operands = 0 : i64, tpu.core_type = #tpu.core_type<tc>, window_params = [{transform_indices = @transform_0, window_bounds = array<i64: 512, 768>}, {pipeline_mode = #tpu.pipeline_mode<synchronous>, transform_indices = @transform_1, window_bounds = array<i64: 769, 768>}, {pipeline_mode = #tpu.pipeline_mode<synchronous>, transform_indices = @transform_2, window_bounds = array<i64: 1, 768>}, {pipeline_mode = #tpu.pipeline_mode<synchronous>, transform_indices = @transform_3, window_bounds = array<i64: 1, 768>}, {transform_indices = @transform_4, window_bounds = array<i64: 512, 1>}, {transform_indices = @transform_5, window_bounds = array<i64: 2, 512>}]} {
    %get3A = arith.constant 0 : index
    %get3A_0 = arith.constant 0 : index
    %get3A_1 = vector.load %arg2[%get3A, %get3A_0] : memref<769x768xf32, #tpu.memory_space<vmem>>, vector<768x768xf32>
    %get3A_2 = arith.constant 768 : index
    %get3A_3 = arith.constant 0 : index
    %get3A_4 = vector.load %arg2[%get3A_2, %get3A_3] : memref<769x768xf32, #tpu.memory_space<vmem>>, vector<1x768xf32>
    %get3A_5 = arith.constant 0 : index
    %get3A_6 = arith.constant 0 : index
    %get3A_7 = vector.load %arg4[%get3A_5, %get3A_6] : memref<1x768xf32, #tpu.memory_space<vmem>>, vector<1x768xf32>
    %mul3A = arith.mulf %get3A_7, %get3A_4 : vector<1x768xf32>
    %mul3A_8 = arith.constant 5.000000e-01 : f32
    %mul3A_9 = vector.broadcast %mul3A_8 : f32 to vector<1x768xf32>
    %mul3A_10 = arith.mulf %mul3A_9, %mul3A : vector<1x768xf32>
    %mul3A_11 = arith.mulf %get3A_4, %mul3A : vector<1x768xf32>
    %get3A_12 = arith.constant 0 : index
    %get3A_13 = arith.constant 0 : index
    %get3A_14 = vector.load %arg3[%get3A_12, %get3A_13] : memref<1x768xf32, #tpu.memory_space<vmem>>, vector<1x768xf32>
    %mul3A_15 = arith.constant 5.000000e-01 : f32
    %mul3A_16 = vector.broadcast %mul3A_15 : f32 to vector<1x768xf32>
    %mul3A_17 = arith.mulf %mul3A_16, %get3A_4 : vector<1x768xf32>
    %add3A = arith.addf %get3A_14, %mul3A_17 : vector<1x768xf32>
    %get3A_18 = arith.constant 0 : index
    %get3A_19 = arith.constant 0 : index
    %get3A_20 = vector.load %arg1[%get3A_18, %get3A_19] : memref<512x768xf32, #tpu.memory_space<vmem>>, vector<512x768xf32>
    %dot_general3A = arith.constant dense<0.000000e+00> : vector<512x768xf32>
    %dot_general3A_21 = tpu.matmul %get3A_20, %get3A_1, %dot_general3A {dimension_numbers = #tpu.dot_dimension_numbers<[1], [0], [0], [1], [0, 0, 1, 1], [], []>, transpose_lhs_hint = false} : vector<512x768xf32>, vector<768x768xf32>, vector<512x768xf32> -> vector<512x768xf32>
    %slice3A = vector.extract_strided_slice %dot_general3A_21 {offsets = [0, 0], sizes = [512, 128], strides = [1, 1]} : vector<512x768xf32> to vector<512x128xf32>
    %slice3A_22 = vector.extract_strided_slice %add3A {offsets = [0, 0], sizes = [1, 128], strides = [1, 1]} : vector<1x768xf32> to vector<1x128xf32>
    %add3A_23 = vector.broadcast %slice3A_22 : vector<1x128xf32> to vector<512x128xf32>
    %add3A_24 = arith.addf %slice3A, %add3A_23 : vector<512x128xf32>
    %convert_element_type3A = arith.truncf %add3A_24 : vector<512x128xf32> to vector<512x128xbf16>
    %mul3A_25 = arith.mulf %convert_element_type3A, %convert_element_type3A : vector<512x128xbf16>
    %mul3A_26 = arith.constant 3.564450e-02 : bf16
    %mul3A_27 = vector.broadcast %mul3A_26 : bf16 to vector<512x128xbf16>
    %mul3A_28 = arith.mulf %mul3A_27, %mul3A_25 : vector<512x128xbf16>
    %add3A_29 = arith.constant 7.968750e-01 : bf16
    %add3A_30 = vector.broadcast %add3A_29 : bf16 to vector<512x128xbf16>
    %add3A_31 = arith.addf %mul3A_28, %add3A_30 : vector<512x128xbf16>
    %mul3A_32 = arith.constant 3.000000e+00 : bf16
    %mul3A_33 = vector.broadcast %mul3A_32 : bf16 to vector<512x128xbf16>
    %mul3A_34 = arith.mulf %mul3A_33, %add3A_31 : vector<512x128xbf16>
    %sub3A = arith.constant 1.593750e+00 : bf16
    %sub3A_35 = vector.broadcast %sub3A : bf16 to vector<512x128xbf16>
    %sub3A_36 = arith.subf %mul3A_34, %sub3A_35 : vector<512x128xbf16>
    %mul3A_37 = arith.mulf %convert_element_type3A, %add3A_31 : vector<512x128xbf16>
    %tanh3A = math.tanh %mul3A_37 : vector<512x128xbf16>
    %mul3A_38 = arith.mulf %tanh3A, %tanh3A : vector<512x128xbf16>
    %sub3A_39 = arith.constant 1.000000e+00 : bf16
    %sub3A_40 = vector.broadcast %sub3A_39 : bf16 to vector<512x128xbf16>
    %sub3A_41 = arith.subf %sub3A_40, %mul3A_38 : vector<512x128xbf16>
    %mul3A_42 = arith.mulf %convert_element_type3A, %sub3A_41 : vector<512x128xbf16>
    %mul3A_43 = arith.mulf %mul3A_42, %sub3A_36 : vector<512x128xbf16>
    %slice3A_44 = vector.extract_strided_slice %mul3A_10 {offsets = [0, 0], sizes = [1, 128], strides = [1, 1]} : vector<1x768xf32> to vector<1x128xf32>
    %convert_element_type3A_45 = arith.truncf %slice3A_44 : vector<1x128xf32> to vector<1x128xbf16>
    %add3A_46 = arith.addf %tanh3A, %mul3A_43 : vector<512x128xbf16>
    %mul3A_47 = vector.broadcast %convert_element_type3A_45 : vector<1x128xbf16> to vector<512x128xbf16>
    %mul3A_48 = arith.mulf %mul3A_47, %add3A_46 : vector<512x128xbf16>
    %convert_element_type3A_49 = arith.extf %mul3A_48 : vector<512x128xbf16> to vector<512x128xf32>
    %reduce_sum3A = arith.constant dense<0.000000e+00> : vector<512xf32>
    %reduce_sum3A_50 = vector.multi_reduction <add>, %convert_element_type3A_49, %reduce_sum3A [1] : vector<512x128xf32> to vector<512xf32>
    %broadcast_in_dim3A = vector.shape_cast %reduce_sum3A_50 : vector<512xf32> to vector<512x1xf32>
    %mul3A_51 = arith.constant 2.000000e+00 : bf16
    %mul3A_52 = vector.broadcast %mul3A_51 : bf16 to vector<512x128xbf16>
    %mul3A_53 = arith.mulf %mul3A_52, %sub3A_36 : vector<512x128xbf16>
    %sub3A_54 = arith.constant 7.968750e-01 : bf16
    %sub3A_55 = vector.broadcast %sub3A_54 : bf16 to vector<512x128xbf16>
    %sub3A_56 = arith.subf %mul3A_53, %sub3A_55 : vector<512x128xbf16>
    %mul3A_57 = arith.mulf %convert_element_type3A, %tanh3A : vector<512x128xbf16>
    %mul3A_58 = arith.mulf %sub3A_36, %sub3A_36 : vector<512x128xbf16>
    %mul3A_59 = arith.mulf %mul3A_57, %mul3A_58 : vector<512x128xbf16>
    %sub3A_60 = arith.subf %sub3A_56, %mul3A_59 : vector<512x128xbf16>
    %mul3A_61 = arith.mulf %sub3A_41, %sub3A_60 : vector<512x128xbf16>
    %slice3A_62 = vector.extract_strided_slice %mul3A_11 {offsets = [0, 0], sizes = [1, 128], strides = [1, 1]} : vector<1x768xf32> to vector<1x128xf32>
    %convert_element_type3A_63 = arith.truncf %slice3A_62 : vector<1x128xf32> to vector<1x128xbf16>
    %mul3A_64 = vector.broadcast %convert_element_type3A_63 : vector<1x128xbf16> to vector<512x128xbf16>
    %mul3A_65 = arith.mulf %mul3A_64, %mul3A_61 : vector<512x128xbf16>
    %convert_element_type3A_66 = arith.extf %mul3A_65 : vector<512x128xbf16> to vector<512x128xf32>
    %reduce_sum3A_67 = arith.constant dense<0.000000e+00> : vector<512xf32>
    %reduce_sum3A_68 = vector.multi_reduction <add>, %convert_element_type3A_66, %reduce_sum3A_67 [1] : vector<512x128xf32> to vector<512xf32>
    %broadcast_in_dim3A_69 = vector.shape_cast %reduce_sum3A_68 : vector<512xf32> to vector<512x1xf32>
    %slice3A_70 = vector.extract_strided_slice %dot_general3A_21 {offsets = [0, 128], sizes = [512, 128], strides = [1, 1]} : vector<512x768xf32> to vector<512x128xf32>
    %slice3A_71 = vector.extract_strided_slice %add3A {offsets = [0, 128], sizes = [1, 128], strides = [1, 1]} : vector<1x768xf32> to vector<1x128xf32>
    %add3A_72 = vector.broadcast %slice3A_71 : vector<1x128xf32> to vector<512x128xf32>
    %add3A_73 = arith.addf %slice3A_70, %add3A_72 : vector<512x128xf32>
    %convert_element_type3A_74 = arith.truncf %add3A_73 : vector<512x128xf32> to vector<512x128xbf16>
    %mul3A_75 = arith.mulf %convert_element_type3A_74, %convert_element_type3A_74 : vector<512x128xbf16>
    %mul3A_76 = arith.constant 3.564450e-02 : bf16
    %mul3A_77 = vector.broadcast %mul3A_76 : bf16 to vector<512x128xbf16>
    %mul3A_78 = arith.mulf %mul3A_77, %mul3A_75 : vector<512x128xbf16>
    %add3A_79 = arith.constant 7.968750e-01 : bf16
    %add3A_80 = vector.broadcast %add3A_79 : bf16 to vector<512x128xbf16>
    %add3A_81 = arith.addf %mul3A_78, %add3A_80 : vector<512x128xbf16>
    %mul3A_82 = arith.constant 3.000000e+00 : bf16
    %mul3A_83 = vector.broadcast %mul3A_82 : bf16 to vector<512x128xbf16>
    %mul3A_84 = arith.mulf %mul3A_83, %add3A_81 : vector<512x128xbf16>
    %sub3A_85 = arith.constant 1.593750e+00 : bf16
    %sub3A_86 = vector.broadcast %sub3A_85 : bf16 to vector<512x128xbf16>
    %sub3A_87 = arith.subf %mul3A_84, %sub3A_86 : vector<512x128xbf16>
    %mul3A_88 = arith.mulf %convert_element_type3A_74, %add3A_81 : vector<512x128xbf16>
    %tanh3A_89 = math.tanh %mul3A_88 : vector<512x128xbf16>
    %mul3A_90 = arith.mulf %tanh3A_89, %tanh3A_89 : vector<512x128xbf16>
    %sub3A_91 = arith.constant 1.000000e+00 : bf16
    %sub3A_92 = vector.broadcast %sub3A_91 : bf16 to vector<512x128xbf16>
    %sub3A_93 = arith.subf %sub3A_92, %mul3A_90 : vector<512x128xbf16>
    %mul3A_94 = arith.mulf %convert_element_type3A_74, %sub3A_93 : vector<512x128xbf16>
    %mul3A_95 = arith.mulf %mul3A_94, %sub3A_87 : vector<512x128xbf16>
    %slice3A_96 = vector.extract_strided_slice %mul3A_10 {offsets = [0, 128], sizes = [1, 128], strides = [1, 1]} : vector<1x768xf32> to vector<1x128xf32>
    %convert_element_type3A_97 = arith.truncf %slice3A_96 : vector<1x128xf32> to vector<1x128xbf16>
    %add3A_98 = arith.addf %tanh3A_89, %mul3A_95 : vector<512x128xbf16>
    %mul3A_99 = vector.broadcast %convert_element_type3A_97 : vector<1x128xbf16> to vector<512x128xbf16>
    %mul3A_100 = arith.mulf %mul3A_99, %add3A_98 : vector<512x128xbf16>
    %convert_element_type3A_101 = arith.extf %mul3A_100 : vector<512x128xbf16> to vector<512x128xf32>
    %reduce_sum3A_102 = arith.constant dense<0.000000e+00> : vector<512xf32>
    %reduce_sum3A_103 = vector.multi_reduction <add>, %convert_element_type3A_101, %reduce_sum3A_102 [1] : vector<512x128xf32> to vector<512xf32>
    %broadcast_in_dim3A_104 = vector.shape_cast %reduce_sum3A_103 : vector<512xf32> to vector<512x1xf32>
    %mul3A_105 = arith.constant 2.000000e+00 : bf16
    %mul3A_106 = vector.broadcast %mul3A_105 : bf16 to vector<512x128xbf16>
    %mul3A_107 = arith.mulf %mul3A_106, %sub3A_87 : vector<512x128xbf16>
    %sub3A_108 = arith.constant 7.968750e-01 : bf16
    %sub3A_109 = vector.broadcast %sub3A_108 : bf16 to vector<512x128xbf16>
    %sub3A_110 = arith.subf %mul3A_107, %sub3A_109 : vector<512x128xbf16>
    %mul3A_111 = arith.mulf %convert_element_type3A_74, %tanh3A_89 : vector<512x128xbf16>
    %mul3A_112 = arith.mulf %sub3A_87, %sub3A_87 : vector<512x128xbf16>
    %mul3A_113 = arith.mulf %mul3A_111, %mul3A_112 : vector<512x128xbf16>
    %sub3A_114 = arith.subf %sub3A_110, %mul3A_113 : vector<512x128xbf16>
    %mul3A_115 = arith.mulf %sub3A_93, %sub3A_114 : vector<512x128xbf16>
    %slice3A_116 = vector.extract_strided_slice %mul3A_11 {offsets = [0, 128], sizes = [1, 128], strides = [1, 1]} : vector<1x768xf32> to vector<1x128xf32>
    %convert_element_type3A_117 = arith.truncf %slice3A_116 : vector<1x128xf32> to vector<1x128xbf16>
    %mul3A_118 = vector.broadcast %convert_element_type3A_117 : vector<1x128xbf16> to vector<512x128xbf16>
    %mul3A_119 = arith.mulf %mul3A_118, %mul3A_115 : vector<512x128xbf16>
    %convert_element_type3A_120 = arith.extf %mul3A_119 : vector<512x128xbf16> to vector<512x128xf32>
    %reduce_sum3A_121 = arith.constant dense<0.000000e+00> : vector<512xf32>
    %reduce_sum3A_122 = vector.multi_reduction <add>, %convert_element_type3A_120, %reduce_sum3A_121 [1] : vector<512x128xf32> to vector<512xf32>
    %broadcast_in_dim3A_123 = vector.shape_cast %reduce_sum3A_122 : vector<512xf32> to vector<512x1xf32>
    %add3A_124 = arith.addf %broadcast_in_dim3A, %broadcast_in_dim3A_104 : vector<512x1xf32>
    %add3A_125 = arith.addf %broadcast_in_dim3A_69, %broadcast_in_dim3A_123 : vector<512x1xf32>
    %slice3A_126 = vector.extract_strided_slice %dot_general3A_21 {offsets = [0, 256], sizes = [512, 128], strides = [1, 1]} : vector<512x768xf32> to vector<512x128xf32>
    %slice3A_127 = vector.extract_strided_slice %add3A {offsets = [0, 256], sizes = [1, 128], strides = [1, 1]} : vector<1x768xf32> to vector<1x128xf32>
    %add3A_128 = vector.broadcast %slice3A_127 : vector<1x128xf32> to vector<512x128xf32>
    %add3A_129 = arith.addf %slice3A_126, %add3A_128 : vector<512x128xf32>
    %convert_element_type3A_130 = arith.truncf %add3A_129 : vector<512x128xf32> to vector<512x128xbf16>
    %mul3A_131 = arith.mulf %convert_element_type3A_130, %convert_element_type3A_130 : vector<512x128xbf16>
    %mul3A_132 = arith.constant 3.564450e-02 : bf16
    %mul3A_133 = vector.broadcast %mul3A_132 : bf16 to vector<512x128xbf16>
    %mul3A_134 = arith.mulf %mul3A_133, %mul3A_131 : vector<512x128xbf16>
    %add3A_135 = arith.constant 7.968750e-01 : bf16
    %add3A_136 = vector.broadcast %add3A_135 : bf16 to vector<512x128xbf16>
    %add3A_137 = arith.addf %mul3A_134, %add3A_136 : vector<512x128xbf16>
    %mul3A_138 = arith.constant 3.000000e+00 : bf16
    %mul3A_139 = vector.broadcast %mul3A_138 : bf16 to vector<512x128xbf16>
    %mul3A_140 = arith.mulf %mul3A_139, %add3A_137 : vector<512x128xbf16>
    %sub3A_141 = arith.constant 1.593750e+00 : bf16
    %sub3A_142 = vector.broadcast %sub3A_141 : bf16 to vector<512x128xbf16>
    %sub3A_143 = arith.subf %mul3A_140, %sub3A_142 : vector<512x128xbf16>
    %mul3A_144 = arith.mulf %convert_element_type3A_130, %add3A_137 : vector<512x128xbf16>
    %tanh3A_145 = math.tanh %mul3A_144 : vector<512x128xbf16>
    %mul3A_146 = arith.mulf %tanh3A_145, %tanh3A_145 : vector<512x128xbf16>
    %sub3A_147 = arith.constant 1.000000e+00 : bf16
    %sub3A_148 = vector.broadcast %sub3A_147 : bf16 to vector<512x128xbf16>
    %sub3A_149 = arith.subf %sub3A_148, %mul3A_146 : vector<512x128xbf16>
    %mul3A_150 = arith.mulf %convert_element_type3A_130, %sub3A_149 : vector<512x128xbf16>
    %mul3A_151 = arith.mulf %mul3A_150, %sub3A_143 : vector<512x128xbf16>
    %slice3A_152 = vector.extract_strided_slice %mul3A_10 {offsets = [0, 256], sizes = [1, 128], strides = [1, 1]} : vector<1x768xf32> to vector<1x128xf32>
    %convert_element_type3A_153 = arith.truncf %slice3A_152 : vector<1x128xf32> to vector<1x128xbf16>
    %add3A_154 = arith.addf %tanh3A_145, %mul3A_151 : vector<512x128xbf16>
    %mul3A_155 = vector.broadcast %convert_element_type3A_153 : vector<1x128xbf16> to vector<512x128xbf16>
    %mul3A_156 = arith.mulf %mul3A_155, %add3A_154 : vector<512x128xbf16>
    %convert_element_type3A_157 = arith.extf %mul3A_156 : vector<512x128xbf16> to vector<512x128xf32>
    %reduce_sum3A_158 = arith.constant dense<0.000000e+00> : vector<512xf32>
    %reduce_sum3A_159 = vector.multi_reduction <add>, %convert_element_type3A_157, %reduce_sum3A_158 [1] : vector<512x128xf32> to vector<512xf32>
    %broadcast_in_dim3A_160 = vector.shape_cast %reduce_sum3A_159 : vector<512xf32> to vector<512x1xf32>
    %mul3A_161 = arith.constant 2.000000e+00 : bf16
    %mul3A_162 = vector.broadcast %mul3A_161 : bf16 to vector<512x128xbf16>
    %mul3A_163 = arith.mulf %mul3A_162, %sub3A_143 : vector<512x128xbf16>
    %sub3A_164 = arith.constant 7.968750e-01 : bf16
    %sub3A_165 = vector.broadcast %sub3A_164 : bf16 to vector<512x128xbf16>
    %sub3A_166 = arith.subf %mul3A_163, %sub3A_165 : vector<512x128xbf16>
    %mul3A_167 = arith.mulf %convert_element_type3A_130, %tanh3A_145 : vector<512x128xbf16>
    %mul3A_168 = arith.mulf %sub3A_143, %sub3A_143 : vector<512x128xbf16>
    %mul3A_169 = arith.mulf %mul3A_167, %mul3A_168 : vector<512x128xbf16>
    %sub3A_170 = arith.subf %sub3A_166, %mul3A_169 : vector<512x128xbf16>
    %mul3A_171 = arith.mulf %sub3A_149, %sub3A_170 : vector<512x128xbf16>
    %slice3A_172 = vector.extract_strided_slice %mul3A_11 {offsets = [0, 256], sizes = [1, 128], strides = [1, 1]} : vector<1x768xf32> to vector<1x128xf32>
    %convert_element_type3A_173 = arith.truncf %slice3A_172 : vector<1x128xf32> to vector<1x128xbf16>
    %mul3A_174 = vector.broadcast %convert_element_type3A_173 : vector<1x128xbf16> to vector<512x128xbf16>
    %mul3A_175 = arith.mulf %mul3A_174, %mul3A_171 : vector<512x128xbf16>
    %convert_element_type3A_176 = arith.extf %mul3A_175 : vector<512x128xbf16> to vector<512x128xf32>
    %reduce_sum3A_177 = arith.constant dense<0.000000e+00> : vector<512xf32>
    %reduce_sum3A_178 = vector.multi_reduction <add>, %convert_element_type3A_176, %reduce_sum3A_177 [1] : vector<512x128xf32> to vector<512xf32>
    %broadcast_in_dim3A_179 = vector.shape_cast %reduce_sum3A_178 : vector<512xf32> to vector<512x1xf32>
    %add3A_180 = arith.addf %add3A_124, %broadcast_in_dim3A_160 : vector<512x1xf32>
    %add3A_181 = arith.addf %add3A_125, %broadcast_in_dim3A_179 : vector<512x1xf32>
    %slice3A_182 = vector.extract_strided_slice %dot_general3A_21 {offsets = [0, 384], sizes = [512, 128], strides = [1, 1]} : vector<512x768xf32> to vector<512x128xf32>
    %slice3A_183 = vector.extract_strided_slice %add3A {offsets = [0, 384], sizes = [1, 128], strides = [1, 1]} : vector<1x768xf32> to vector<1x128xf32>
    %add3A_184 = vector.broadcast %slice3A_183 : vector<1x128xf32> to vector<512x128xf32>
    %add3A_185 = arith.addf %slice3A_182, %add3A_184 : vector<512x128xf32>
    %convert_element_type3A_186 = arith.truncf %add3A_185 : vector<512x128xf32> to vector<512x128xbf16>
    %mul3A_187 = arith.mulf %convert_element_type3A_186, %convert_element_type3A_186 : vector<512x128xbf16>
    %mul3A_188 = arith.constant 3.564450e-02 : bf16
    %mul3A_189 = vector.broadcast %mul3A_188 : bf16 to vector<512x128xbf16>
    %mul3A_190 = arith.mulf %mul3A_189, %mul3A_187 : vector<512x128xbf16>
    %add3A_191 = arith.constant 7.968750e-01 : bf16
    %add3A_192 = vector.broadcast %add3A_191 : bf16 to vector<512x128xbf16>
    %add3A_193 = arith.addf %mul3A_190, %add3A_192 : vector<512x128xbf16>
    %mul3A_194 = arith.constant 3.000000e+00 : bf16
    %mul3A_195 = vector.broadcast %mul3A_194 : bf16 to vector<512x128xbf16>
    %mul3A_196 = arith.mulf %mul3A_195, %add3A_193 : vector<512x128xbf16>
    %sub3A_197 = arith.constant 1.593750e+00 : bf16
    %sub3A_198 = vector.broadcast %sub3A_197 : bf16 to vector<512x128xbf16>
    %sub3A_199 = arith.subf %mul3A_196, %sub3A_198 : vector<512x128xbf16>
    %mul3A_200 = arith.mulf %convert_element_type3A_186, %add3A_193 : vector<512x128xbf16>
    %tanh3A_201 = math.tanh %mul3A_200 : vector<512x128xbf16>
    %mul3A_202 = arith.mulf %tanh3A_201, %tanh3A_201 : vector<512x128xbf16>
    %sub3A_203 = arith.constant 1.000000e+00 : bf16
    %sub3A_204 = vector.broadcast %sub3A_203 : bf16 to vector<512x128xbf16>
    %sub3A_205 = arith.subf %sub3A_204, %mul3A_202 : vector<512x128xbf16>
    %mul3A_206 = arith.mulf %convert_element_type3A_186, %sub3A_205 : vector<512x128xbf16>
    %mul3A_207 = arith.mulf %mul3A_206, %sub3A_199 : vector<512x128xbf16>
    %slice3A_208 = vector.extract_strided_slice %mul3A_10 {offsets = [0, 384], sizes = [1, 128], strides = [1, 1]} : vector<1x768xf32> to vector<1x128xf32>
    %convert_element_type3A_209 = arith.truncf %slice3A_208 : vector<1x128xf32> to vector<1x128xbf16>
    %add3A_210 = arith.addf %tanh3A_201, %mul3A_207 : vector<512x128xbf16>
    %mul3A_211 = vector.broadcast %convert_element_type3A_209 : vector<1x128xbf16> to vector<512x128xbf16>
    %mul3A_212 = arith.mulf %mul3A_211, %add3A_210 : vector<512x128xbf16>
    %convert_element_type3A_213 = arith.extf %mul3A_212 : vector<512x128xbf16> to vector<512x128xf32>
    %reduce_sum3A_214 = arith.constant dense<0.000000e+00> : vector<512xf32>
    %reduce_sum3A_215 = vector.multi_reduction <add>, %convert_element_type3A_213, %reduce_sum3A_214 [1] : vector<512x128xf32> to vector<512xf32>
    %broadcast_in_dim3A_216 = vector.shape_cast %reduce_sum3A_215 : vector<512xf32> to vector<512x1xf32>
    %mul3A_217 = arith.constant 2.000000e+00 : bf16
    %mul3A_218 = vector.broadcast %mul3A_217 : bf16 to vector<512x128xbf16>
    %mul3A_219 = arith.mulf %mul3A_218, %sub3A_199 : vector<512x128xbf16>
    %sub3A_220 = arith.constant 7.968750e-01 : bf16
    %sub3A_221 = vector.broadcast %sub3A_220 : bf16 to vector<512x128xbf16>
    %sub3A_222 = arith.subf %mul3A_219, %sub3A_221 : vector<512x128xbf16>
    %mul3A_223 = arith.mulf %convert_element_type3A_186, %tanh3A_201 : vector<512x128xbf16>
    %mul3A_224 = arith.mulf %sub3A_199, %sub3A_199 : vector<512x128xbf16>
    %mul3A_225 = arith.mulf %mul3A_223, %mul3A_224 : vector<512x128xbf16>
    %sub3A_226 = arith.subf %sub3A_222, %mul3A_225 : vector<512x128xbf16>
    %mul3A_227 = arith.mulf %sub3A_205, %sub3A_226 : vector<512x128xbf16>
    %slice3A_228 = vector.extract_strided_slice %mul3A_11 {offsets = [0, 384], sizes = [1, 128], strides = [1, 1]} : vector<1x768xf32> to vector<1x128xf32>
    %convert_element_type3A_229 = arith.truncf %slice3A_228 : vector<1x128xf32> to vector<1x128xbf16>
    %mul3A_230 = vector.broadcast %convert_element_type3A_229 : vector<1x128xbf16> to vector<512x128xbf16>
    %mul3A_231 = arith.mulf %mul3A_230, %mul3A_227 : vector<512x128xbf16>
    %convert_element_type3A_232 = arith.extf %mul3A_231 : vector<512x128xbf16> to vector<512x128xf32>
    %reduce_sum3A_233 = arith.constant dense<0.000000e+00> : vector<512xf32>
    %reduce_sum3A_234 = vector.multi_reduction <add>, %convert_element_type3A_232, %reduce_sum3A_233 [1] : vector<512x128xf32> to vector<512xf32>
    %broadcast_in_dim3A_235 = vector.shape_cast %reduce_sum3A_234 : vector<512xf32> to vector<512x1xf32>
    %add3A_236 = arith.addf %add3A_180, %broadcast_in_dim3A_216 : vector<512x1xf32>
    %add3A_237 = arith.addf %add3A_181, %broadcast_in_dim3A_235 : vector<512x1xf32>
    %slice3A_238 = vector.extract_strided_slice %dot_general3A_21 {offsets = [0, 512], sizes = [512, 128], strides = [1, 1]} : vector<512x768xf32> to vector<512x128xf32>
    %slice3A_239 = vector.extract_strided_slice %add3A {offsets = [0, 512], sizes = [1, 128], strides = [1, 1]} : vector<1x768xf32> to vector<1x128xf32>
    %add3A_240 = vector.broadcast %slice3A_239 : vector<1x128xf32> to vector<512x128xf32>
    %add3A_241 = arith.addf %slice3A_238, %add3A_240 : vector<512x128xf32>
    %convert_element_type3A_242 = arith.truncf %add3A_241 : vector<512x128xf32> to vector<512x128xbf16>
    %mul3A_243 = arith.mulf %convert_element_type3A_242, %convert_element_type3A_242 : vector<512x128xbf16>
    %mul3A_244 = arith.constant 3.564450e-02 : bf16
    %mul3A_245 = vector.broadcast %mul3A_244 : bf16 to vector<512x128xbf16>
    %mul3A_246 = arith.mulf %mul3A_245, %mul3A_243 : vector<512x128xbf16>
    %add3A_247 = arith.constant 7.968750e-01 : bf16
    %add3A_248 = vector.broadcast %add3A_247 : bf16 to vector<512x128xbf16>
    %add3A_249 = arith.addf %mul3A_246, %add3A_248 : vector<512x128xbf16>
    %mul3A_250 = arith.constant 3.000000e+00 : bf16
    %mul3A_251 = vector.broadcast %mul3A_250 : bf16 to vector<512x128xbf16>
    %mul3A_252 = arith.mulf %mul3A_251, %add3A_249 : vector<512x128xbf16>
    %sub3A_253 = arith.constant 1.593750e+00 : bf16
    %sub3A_254 = vector.broadcast %sub3A_253 : bf16 to vector<512x128xbf16>
    %sub3A_255 = arith.subf %mul3A_252, %sub3A_254 : vector<512x128xbf16>
    %mul3A_256 = arith.mulf %convert_element_type3A_242, %add3A_249 : vector<512x128xbf16>
    %tanh3A_257 = math.tanh %mul3A_256 : vector<512x128xbf16>
    %mul3A_258 = arith.mulf %tanh3A_257, %tanh3A_257 : vector<512x128xbf16>
    %sub3A_259 = arith.constant 1.000000e+00 : bf16
    %sub3A_260 = vector.broadcast %sub3A_259 : bf16 to vector<512x128xbf16>
    %sub3A_261 = arith.subf %sub3A_260, %mul3A_258 : vector<512x128xbf16>
    %mul3A_262 = arith.mulf %convert_element_type3A_242, %sub3A_261 : vector<512x128xbf16>
    %mul3A_263 = arith.mulf %mul3A_262, %sub3A_255 : vector<512x128xbf16>
    %slice3A_264 = vector.extract_strided_slice %mul3A_10 {offsets = [0, 512], sizes = [1, 128], strides = [1, 1]} : vector<1x768xf32> to vector<1x128xf32>
    %convert_element_type3A_265 = arith.truncf %slice3A_264 : vector<1x128xf32> to vector<1x128xbf16>
    %add3A_266 = arith.addf %tanh3A_257, %mul3A_263 : vector<512x128xbf16>
    %mul3A_267 = vector.broadcast %convert_element_type3A_265 : vector<1x128xbf16> to vector<512x128xbf16>
    %mul3A_268 = arith.mulf %mul3A_267, %add3A_266 : vector<512x128xbf16>
    %convert_element_type3A_269 = arith.extf %mul3A_268 : vector<512x128xbf16> to vector<512x128xf32>
    %reduce_sum3A_270 = arith.constant dense<0.000000e+00> : vector<512xf32>
    %reduce_sum3A_271 = vector.multi_reduction <add>, %convert_element_type3A_269, %reduce_sum3A_270 [1] : vector<512x128xf32> to vector<512xf32>
    %broadcast_in_dim3A_272 = vector.shape_cast %reduce_sum3A_271 : vector<512xf32> to vector<512x1xf32>
    %mul3A_273 = arith.constant 2.000000e+00 : bf16
    %mul3A_274 = vector.broadcast %mul3A_273 : bf16 to vector<512x128xbf16>
    %mul3A_275 = arith.mulf %mul3A_274, %sub3A_255 : vector<512x128xbf16>
    %sub3A_276 = arith.constant 7.968750e-01 : bf16
    %sub3A_277 = vector.broadcast %sub3A_276 : bf16 to vector<512x128xbf16>
    %sub3A_278 = arith.subf %mul3A_275, %sub3A_277 : vector<512x128xbf16>
    %mul3A_279 = arith.mulf %convert_element_type3A_242, %tanh3A_257 : vector<512x128xbf16>
    %mul3A_280 = arith.mulf %sub3A_255, %sub3A_255 : vector<512x128xbf16>
    %mul3A_281 = arith.mulf %mul3A_279, %mul3A_280 : vector<512x128xbf16>
    %sub3A_282 = arith.subf %sub3A_278, %mul3A_281 : vector<512x128xbf16>
    %mul3A_283 = arith.mulf %sub3A_261, %sub3A_282 : vector<512x128xbf16>
    %slice3A_284 = vector.extract_strided_slice %mul3A_11 {offsets = [0, 512], sizes = [1, 128], strides = [1, 1]} : vector<1x768xf32> to vector<1x128xf32>
    %convert_element_type3A_285 = arith.truncf %slice3A_284 : vector<1x128xf32> to vector<1x128xbf16>
    %mul3A_286 = vector.broadcast %convert_element_type3A_285 : vector<1x128xbf16> to vector<512x128xbf16>
    %mul3A_287 = arith.mulf %mul3A_286, %mul3A_283 : vector<512x128xbf16>
    %convert_element_type3A_288 = arith.extf %mul3A_287 : vector<512x128xbf16> to vector<512x128xf32>
    %reduce_sum3A_289 = arith.constant dense<0.000000e+00> : vector<512xf32>
    %reduce_sum3A_290 = vector.multi_reduction <add>, %convert_element_type3A_288, %reduce_sum3A_289 [1] : vector<512x128xf32> to vector<512xf32>
    %broadcast_in_dim3A_291 = vector.shape_cast %reduce_sum3A_290 : vector<512xf32> to vector<512x1xf32>
    %add3A_292 = arith.addf %add3A_236, %broadcast_in_dim3A_272 : vector<512x1xf32>
    %add3A_293 = arith.addf %add3A_237, %broadcast_in_dim3A_291 : vector<512x1xf32>
    %slice3A_294 = vector.extract_strided_slice %dot_general3A_21 {offsets = [0, 640], sizes = [512, 128], strides = [1, 1]} : vector<512x768xf32> to vector<512x128xf32>
    %slice3A_295 = vector.extract_strided_slice %add3A {offsets = [0, 640], sizes = [1, 128], strides = [1, 1]} : vector<1x768xf32> to vector<1x128xf32>
    %add3A_296 = vector.broadcast %slice3A_295 : vector<1x128xf32> to vector<512x128xf32>
    %add3A_297 = arith.addf %slice3A_294, %add3A_296 : vector<512x128xf32>
    %convert_element_type3A_298 = arith.truncf %add3A_297 : vector<512x128xf32> to vector<512x128xbf16>
    %mul3A_299 = arith.mulf %convert_element_type3A_298, %convert_element_type3A_298 : vector<512x128xbf16>
    %mul3A_300 = arith.constant 3.564450e-02 : bf16
    %mul3A_301 = vector.broadcast %mul3A_300 : bf16 to vector<512x128xbf16>
    %mul3A_302 = arith.mulf %mul3A_301, %mul3A_299 : vector<512x128xbf16>
    %add3A_303 = arith.constant 7.968750e-01 : bf16
    %add3A_304 = vector.broadcast %add3A_303 : bf16 to vector<512x128xbf16>
    %add3A_305 = arith.addf %mul3A_302, %add3A_304 : vector<512x128xbf16>
    %mul3A_306 = arith.constant 3.000000e+00 : bf16
    %mul3A_307 = vector.broadcast %mul3A_306 : bf16 to vector<512x128xbf16>
    %mul3A_308 = arith.mulf %mul3A_307, %add3A_305 : vector<512x128xbf16>
    %sub3A_309 = arith.constant 1.593750e+00 : bf16
    %sub3A_310 = vector.broadcast %sub3A_309 : bf16 to vector<512x128xbf16>
    %sub3A_311 = arith.subf %mul3A_308, %sub3A_310 : vector<512x128xbf16>
    %mul3A_312 = arith.mulf %convert_element_type3A_298, %add3A_305 : vector<512x128xbf16>
    %tanh3A_313 = math.tanh %mul3A_312 : vector<512x128xbf16>
    %mul3A_314 = arith.mulf %tanh3A_313, %tanh3A_313 : vector<512x128xbf16>
    %sub3A_315 = arith.constant 1.000000e+00 : bf16
    %sub3A_316 = vector.broadcast %sub3A_315 : bf16 to vector<512x128xbf16>
    %sub3A_317 = arith.subf %sub3A_316, %mul3A_314 : vector<512x128xbf16>
    %mul3A_318 = arith.mulf %convert_element_type3A_298, %sub3A_317 : vector<512x128xbf16>
    %mul3A_319 = arith.mulf %mul3A_318, %sub3A_311 : vector<512x128xbf16>
    %slice3A_320 = vector.extract_strided_slice %mul3A_10 {offsets = [0, 640], sizes = [1, 128], strides = [1, 1]} : vector<1x768xf32> to vector<1x128xf32>
    %convert_element_type3A_321 = arith.truncf %slice3A_320 : vector<1x128xf32> to vector<1x128xbf16>
    %add3A_322 = arith.addf %tanh3A_313, %mul3A_319 : vector<512x128xbf16>
    %mul3A_323 = vector.broadcast %convert_element_type3A_321 : vector<1x128xbf16> to vector<512x128xbf16>
    %mul3A_324 = arith.mulf %mul3A_323, %add3A_322 : vector<512x128xbf16>
    %convert_element_type3A_325 = arith.extf %mul3A_324 : vector<512x128xbf16> to vector<512x128xf32>
    %reduce_sum3A_326 = arith.constant dense<0.000000e+00> : vector<512xf32>
    %reduce_sum3A_327 = vector.multi_reduction <add>, %convert_element_type3A_325, %reduce_sum3A_326 [1] : vector<512x128xf32> to vector<512xf32>
    %broadcast_in_dim3A_328 = vector.shape_cast %reduce_sum3A_327 : vector<512xf32> to vector<512x1xf32>
    %mul3A_329 = arith.constant 2.000000e+00 : bf16
    %mul3A_330 = vector.broadcast %mul3A_329 : bf16 to vector<512x128xbf16>
    %mul3A_331 = arith.mulf %mul3A_330, %sub3A_311 : vector<512x128xbf16>
    %sub3A_332 = arith.constant 7.968750e-01 : bf16
    %sub3A_333 = vector.broadcast %sub3A_332 : bf16 to vector<512x128xbf16>
    %sub3A_334 = arith.subf %mul3A_331, %sub3A_333 : vector<512x128xbf16>
    %mul3A_335 = arith.mulf %convert_element_type3A_298, %tanh3A_313 : vector<512x128xbf16>
    %mul3A_336 = arith.mulf %sub3A_311, %sub3A_311 : vector<512x128xbf16>
    %mul3A_337 = arith.mulf %mul3A_335, %mul3A_336 : vector<512x128xbf16>
    %sub3A_338 = arith.subf %sub3A_334, %mul3A_337 : vector<512x128xbf16>
    %mul3A_339 = arith.mulf %sub3A_317, %sub3A_338 : vector<512x128xbf16>
    %slice3A_340 = vector.extract_strided_slice %mul3A_11 {offsets = [0, 640], sizes = [1, 128], strides = [1, 1]} : vector<1x768xf32> to vector<1x128xf32>
    %convert_element_type3A_341 = arith.truncf %slice3A_340 : vector<1x128xf32> to vector<1x128xbf16>
    %mul3A_342 = vector.broadcast %convert_element_type3A_341 : vector<1x128xbf16> to vector<512x128xbf16>
    %mul3A_343 = arith.mulf %mul3A_342, %mul3A_339 : vector<512x128xbf16>
    %convert_element_type3A_344 = arith.extf %mul3A_343 : vector<512x128xbf16> to vector<512x128xf32>
    %reduce_sum3A_345 = arith.constant dense<0.000000e+00> : vector<512xf32>
    %reduce_sum3A_346 = vector.multi_reduction <add>, %convert_element_type3A_344, %reduce_sum3A_345 [1] : vector<512x128xf32> to vector<512xf32>
    %broadcast_in_dim3A_347 = vector.shape_cast %reduce_sum3A_346 : vector<512xf32> to vector<512x1xf32>
    %add3A_348 = arith.addf %add3A_292, %broadcast_in_dim3A_328 : vector<512x1xf32>
    %add3A_349 = arith.addf %add3A_293, %broadcast_in_dim3A_347 : vector<512x1xf32>
    %reduce_sum3A_350 = arith.constant dense<0.000000e+00> : vector<1xf32>
    %reduce_sum3A_351 = vector.multi_reduction <add>, %mul3A, %reduce_sum3A_350 [1] : vector<1x768xf32> to vector<1xf32>
    %broadcast_in_dim3A_352 = vector.shape_cast %reduce_sum3A_351 : vector<1xf32> to vector<1x1xf32>
    %mul3A_353 = arith.constant 5.000000e-01 : f32
    %mul3A_354 = vector.broadcast %mul3A_353 : f32 to vector<1x1xf32>
    %mul3A_355 = arith.mulf %mul3A_354, %broadcast_in_dim3A_352 : vector<1x1xf32>
    %add3A_356 = vector.broadcast %mul3A_355 : vector<1x1xf32> to vector<512x1xf32>
    %add3A_357 = arith.addf %add3A_348, %add3A_356 : vector<512x1xf32>
    %get3A_358 = arith.constant 0 : index
    %get3A_359 = arith.constant 0 : index
    %get3A_360 = vector.load %arg5[%get3A_358, %get3A_359] : memref<512x1xi32, #tpu.memory_space<vmem>>, vector<512x1xi32>
    %convert_element_type3A_361 = arith.sitofp %get3A_360 : vector<512x1xi32> to vector<512x1xf32>
    %mul3A_362 = arith.constant -2.500000e-02 : f32
    %mul3A_363 = vector.broadcast %mul3A_362 : f32 to vector<512x1xf32>
    %mul3A_364 = arith.mulf %mul3A_363, %convert_element_type3A_361 : vector<512x1xf32>
    %mul3A_365 = arith.mulf %mul3A_364, %add3A_357 : vector<512x1xf32>
    %logistic3A = arith.negf %mul3A_365 : vector<512x1xf32>
    %logistic3A_366 = math.exp %logistic3A : vector<512x1xf32>
    %logistic3A_367 = arith.constant 1.000000e+00 : f32
    %logistic3A_368 = vector.broadcast %logistic3A_367 : f32 to vector<512x1xf32>
    %logistic3A_369 = arith.addf %logistic3A_368, %logistic3A_366 : vector<512x1xf32>
    %logistic3A_370 = arith.divf %logistic3A_368, %logistic3A_369 : vector<512x1xf32>
    %sub3A_371 = arith.constant 5.000000e-01 : f32
    %sub3A_372 = vector.broadcast %sub3A_371 : f32 to vector<512x1xf32>
    %sub3A_373 = arith.subf %logistic3A_370, %sub3A_372 : vector<512x1xf32>
    %mul3A_374 = arith.mulf %sub3A_373, %add3A_349 : vector<512x1xf32>
    %add3A_375 = arith.addf %add3A_357, %mul3A_374 : vector<512x1xf32>
    %mul3A_376 = arith.mulf %convert_element_type3A_361, %logistic3A_370 : vector<512x1xf32>
    %sub3A_377 = arith.constant 1.000000e+00 : f32
    %sub3A_378 = vector.broadcast %sub3A_377 : f32 to vector<512x1xf32>
    %sub3A_379 = arith.subf %sub3A_378, %logistic3A_370 : vector<512x1xf32>
    %mul3A_380 = arith.mulf %mul3A_376, %sub3A_379 : vector<512x1xf32>
    %mul3A_381 = arith.mulf %mul3A_380, %add3A_375 : vector<512x1xf32>
    %mul3A_382 = arith.constant 1.000000e-01 : f32
    %mul3A_383 = vector.broadcast %mul3A_382 : f32 to vector<512x1xf32>
    %mul3A_384 = arith.mulf %mul3A_383, %mul3A_381 : vector<512x1xf32>
    %sub3A_385 = arith.subf %mul3A_365, %mul3A_384 : vector<512x1xf32>
    %concatenate3A = tpu.concatenate %mul3A_365, %sub3A_385 in 1 : vector<512x1xf32>, vector<512x1xf32> -> vector<512x2xf32>
    %transpose3A = tpu.transpose %concatenate3A, [1, 0] : vector<512x2xf32> -> vector<2x512xf32>
    %swap3A = arith.constant 0 : index
    %swap3A_386 = arith.constant 0 : index
    %swap3A_387 = vector.load %arg6[%swap3A, %swap3A_386] : memref<2x512xf32, #tpu.memory_space<vmem>>, vector<2x512xf32>
    tpu.vector_store %arg6[%swap3A, %swap3A_386], %transpose3A {strides = array<i32>} : memref<2x512xf32, #tpu.memory_space<vmem>>, vector<2x512xf32>,
    return
  }
  func.func @transform_0(%arg0: i32) -> (i32, i32) {
    %c0_i32 = arith.constant 0 : i32
    %c0_i32_0 = arith.constant 0 : i32
    return %arg0, %c0_i32 : i32, i32
  }
  func.func @transform_1(%arg0: i32) -> (i32, i32) {
    %c0_i32 = arith.constant 0 : i32
    %c0_i32_0 = arith.constant 0 : i32
    %c0_i32_1 = arith.constant 0 : i32
    return %c0_i32, %c0_i32_0 : i32, i32
  }
  func.func @transform_2(%arg0: i32) -> (i32, i32) {
    %c0_i32 = arith.constant 0 : i32
    %c0_i32_0 = arith.constant 0 : i32
    %c0_i32_1 = arith.constant 0 : i32
    return %c0_i32, %c0_i32_0 : i32, i32
  }
  func.func @transform_3(%arg0: i32) -> (i32, i32) {
    %c0_i32 = arith.constant 0 : i32
    %c0_i32_0 = arith.constant 0 : i32
    %c0_i32_1 = arith.constant 0 : i32
    return %c0_i32, %c0_i32_0 : i32, i32
  }
  func.func @transform_4(%arg0: i32) -> (i32, i32) {
    %c0_i32 = arith.constant 0 : i32
    %c0_i32_0 = arith.constant 0 : i32
    return %arg0, %c0_i32 : i32, i32
  }
  func.func @transform_5(%arg0: i32) -> (i32, i32) {
    %c0_i32 = arith.constant 0 : i32
    %c0_i32_0 = arith.constant 0 : i32
    return %c0_i32, %arg0 : i32, i32
  }
}

</mosaic_0001>

<sc_bundles>
// kernel: kernel.4.cloned.1.call-start
scs
__scs_entry_jumppad:
0x0: {  	(pc) =	sbr.rel $0x88, $3  }
0x1: {  	(tag) =	ssettag $0x0;
	lr =	simm.s32 $0x1  }
0x2: {  	[smem:$0x3F9C] =	sst lr;
	_ =	strace $0xD0000000  }
0x3: {  	_ = 	snop  }
0x4: {  	_ = 	snop  }
0x5: {  	_ = 	snop  }
0x6: {  	_ = 	snop  }
0x7: {  	_ = 	snop  }
__scs_overlays_trampoline_lowered:
0x8: {  	[smem:$0x3FAB] =	sst s0  }
0x9: {  	[smem:$0x3FAC] =	sst s1  }
0xa: {  	[smem:$0x3FAD] =	sst s2  }
0xb: {  	[smem:$0x3FAE] =	sst s3  }
0xc: {  	[smem:$0x3FAF] =	sst s4  }
0xd: {  	[smem:$0x3FB0] =	sst s5  }
0xe: {  	[smem:$0x3FB1] =	sst s6  }
0xf: {  	[smem:$0x3FB2] =	sst s7  }
0x10: {  	[smem:$0x3FB3] =	sst s8  }
0x11: {  	[smem:$0x3FB4] =	sst s9;
	s0 =	simm.s32 @!p0 $0x0  }
0x12: {  	s1 =	sld [smem:$0x3F9A];
	s0 =	simm.s32 @p0 $0x1  }
0x13: {  	[smem:$0x3FB5] =	sst s0;
	s0 =	simm.s32 @!p1 $0x0  }
0x14: {  	s2 =	sld [smem:$0x3F99];
	s0 =	simm.s32 @p1 $0x1  }
0x15: {  	[smem:$0x3FB6] =	sst s0;
	s0 =	simm.s32 @!p2 $0x0  }
0x16: {  	s3 =	sld [smem:$0x3FDB];
	s0 =	simm.s32 @p2 $0x1  }
0x17: {  	s4 =	simm.s32 $0x1BF5;
	[smem:$0x3FB8] =	sst s0  }
0x18: {  	s0 =	sld [smem:$0x3F9B];
	_ =	swait.ge [sflag:s4], $0x0  }
0x19: {  	s7 =	sld [smem:$0x3F9C]  }
0x1a: {  	s8 =	sadd.s32 $0xFFFFE003, lr  }
0x1b: {  	s9 =	sadd.s32 $0xFFFFFEF7, lr;
	s5 =	simm.s32 $0xFFFFFFFF;
	p2 =	slt.u32 s8, $0xFFFFF086  }
0x1c: {  	p1 =	slt.u32 s9, $0xF7A;
	s5 =	simm.s32 @!p2 $0x0  }
0x1d: {  	s5 =	simm.s32 @p1 $0x1;
	p0 =	seq.s32 s7, s2  }
0x1e: {  	s7 =	smul.u32 @!p0 $0xF7A, s2;
	p2 =	seq.s32 @!p0 s5, $0x0  }
0x1f: {  	s9 =	smul.u32 $0xF7A, s1;
	s8 =	simm.s32 @!p0 $0x1BF5;
	p2 =	por !p2, p0  }
0x20: {  	[sflag:s8] =	ssyncset.s32 @!p0 $0xFFFFF086;
	s6 =	sadd.s32 @!p0 s3, s7;
	s7 =	simm.s32 @!p0 $0x108  }
0x21: {  	s3 =	sadd.s32 s3, s9;
	s6 =	sadd.s32 @!p0 $0x88, s6;
	s7 =	simm.s32 @p2 $0x1082  }
0x22: {  	[simem:s7], [sflag:s8] =	dma.local @!p0 [hbm:s6], $0xF7A  }
0x23: {  	s9 =	sor.u32 $0xD0000000, s2;
	s6 =	simm.s32 $0x108;
	_ =	swait.ge @!p0 [sflag:s8], $0x0  }
0x24: {  	s3 =	sadd.s32 $0x88, s3;
	s6 =	simm.s32 @!p1 $0x1082;
	[sflag:s4] =	ssyncset.s32 $0xFFFFF086  }
0x25: {  	[simem:s6], [sflag:s4] =	dma.local [hbm:s3], $0xF7A  }
0x26: {  	[smem:$0x3F9C] =	sst s1;
	(tag) =	ssettag s2;
	_ =	strace s9  }
0x27: {  	s1 =	sld [smem:$0x3FAC]  }
0x28: {  	s2 =	sld [smem:$0x3FAD]  }
0x29: {  	s4 =	sld [smem:$0x3FAF]  }
0x2a: {  	p0 =	seq.s32 s5, $0x0;
	s5 =	sld [smem:$0x3FB0]  }
0x2b: {  	s6 =	sld [smem:$0x3FB1]  }
0x2c: {  	s7 =	sld [smem:$0x3FB2]  }
0x2d: {  	s3 =	simm.s32 $0x108;
	s8 =	sld [smem:$0x3FB3]  }
0x2e: {  	s3 =	simm.s32 @!p0 $0x1082;
	s9 =	sld [smem:$0x3FB4]  }
0x2f: {  	lr =	sadd.s32 s0, s3;
	s0 =	sld [smem:$0x3FAB]  }
0x30: {  	s3 =	sld [smem:$0x3FAE]  }
0x31: {  	[smem:$0x3FB7] =	sst s10  }
0x32: {  	s10 =	sld [smem:$0x3FB5];
	_ =	sdelay $0x3  }
0x33: {  	p0 =	seq.s32 s10, $0x1;
	s10 =	sld [smem:$0x3FB7];
	_ =	sdelay $0x3  }
0x34: {  	[smem:$0x3FB7] =	sst s10  }
0x35: {  	s10 =	sld [smem:$0x3FB6];
	_ =	sdelay $0x3  }
0x36: {  	p1 =	seq.s32 s10, $0x1;
	s10 =	sld [smem:$0x3FB7];
	_ =	sdelay $0x3  }
0x37: {  	[smem:$0x3FB7] =	sst s10  }
0x38: {  	s10 =	sld [smem:$0x3FB8]  }
0x39: {  	_ = 	snop;
	(pc) =	sbr.ind lr, $3  }
0x3a: {  	_ = 	snop  }
0x3b: {  	_ = 	snop  }
0x3c: {  	p2 =	seq.s32 s10, $0x1;
	s10 =	sld [smem:$0x3FB7]  }
0x3d: {  	_ =	shalt  }
0x3e: {  	_ =	shalt  }
0x3f: {  	_ =	shalt  }
0x40: {  	_ =	shalt  }
0x41: {  	_ =	shalt  }
0x42: {  	_ =	shalt  }
0x43: {  	_ =	shalt  }
0x44: {  	_ =	shalt  }
0x45: {  	_ =	shalt  }
0x46: {  	_ =	shalt  }
0x47: {  	_ =	shalt  }
0x48: {  	_ =	shalt  }
0x49: {  	_ =	shalt  }
0x4a: {  	_ =	shalt  }
0x4b: {  	_ =	shalt  }
0x4c: {  	_ =	shalt  }
0x4d: {  	_ =	shalt  }
0x4e: {  	_ =	shalt  }
0x4f: {  	_ =	shalt  }
0x50: {  	_ =	shalt  }
0x51: {  	_ =	shalt  }
0x52: {  	_ =	shalt  }
0x53: {  	_ =	shalt  }
0x54: {  	_ =	shalt  }
0x55: {  	_ =	shalt  }
0x56: {  	_ =	shalt  }
0x57: {  	_ =	shalt  }
0x58: {  	_ =	shalt  }
0x59: {  	_ =	shalt  }
0x5a: {  	_ =	shalt  }
0x5b: {  	_ =	shalt  }
0x5c: {  	_ =	shalt  }
0x5d: {  	_ =	shalt  }
0x5e: {  	_ =	shalt  }
0x5f: {  	_ =	shalt  }
0x60: {  	_ =	shalt  }
0x61: {  	_ =	shalt  }
0x62: {  	_ =	shalt  }
0x63: {  	_ =	shalt  }
0x64: {  	_ =	shalt  }
0x65: {  	_ =	shalt  }
0x66: {  	_ =	shalt  }
0x67: {  	_ =	shalt  }
0x68: {  	_ =	shalt  }
0x69: {  	_ =	shalt  }
0x6a: {  	_ =	shalt  }
0x6b: {  	_ =	shalt  }
0x6c: {  	_ =	shalt  }
0x6d: {  	_ =	shalt  }
0x6e: {  	_ =	shalt  }
0x6f: {  	_ =	shalt  }
0x70: {  	_ =	shalt  }
0x71: {  	_ =	shalt  }
0x72: {  	_ =	shalt  }
0x73: {  	_ =	shalt  }
0x74: {  	_ =	shalt  }
0x75: {  	_ =	shalt  }
0x76: {  	_ =	shalt  }
0x77: {  	_ =	shalt  }
0x78: {  	_ =	shalt  }
0x79: {  	_ =	shalt  }
0x7a: {  	_ =	shalt  }
0x7b: {  	_ =	shalt  }
0x7c: {  	_ =	shalt  }
0x7d: {  	_ =	shalt  }
0x7e: {  	_ =	shalt  }
0x7f: {  	_ =	shalt  }
0x80: {  	_ =	shalt  }
0x81: {  	_ =	shalt  }
0x82: {  	_ =	shalt  }
0x83: {  	_ =	shalt  }
0x84: {  	_ =	shalt  }
0x85: {  	_ =	shalt  }
0x86: {  	_ =	shalt  }
0x87: {  	_ =	shalt  }
.Lfunc_end0:
.L_simem_size_0:
called_computation_lowered:
.L_overlay_start_0:
0x88: {  	s2 =	sld [smem:$0x3FD9]  }
0x89: {  	s3 =	sld [smem:$0x3FFE];
	_ =	sdelay $0x1  }
0x8a: {  	s1 =	srdreg.scid  }
0x8b: {  	s0 =	sand.u32 $0x1, s1  }
0x8c: {  	s17 =	sshll.u32 s0, $0xA;
	s2 =	sadd.s32 s3, s2  }
0x8d: {  	s2 =	sadd.s32 s2, s17  }
0x8e: {  	[smem:$0x3FC3] =	sst s2  }
0x8f: {  	_ = 	snop  }
0x90: {  	s2 =	sld [smem:$0x3FC8]  }
0x91: {  	s18 =	sld [smem:$0x3FD0];
	(tm) =	ssettm $0x1  }
0x92: {  	s4 =	sld [smem:$0x3FFB];
	_ =	sdelay $0x3  }
0x93: {  	_ =	strace s4  }
0x94: {  	s4 =	sld [smem:$0x3FFC];
	_ =	sdelay $0x3  }
0x95: {  	_ =	strace s4  }
0x96: {  	s4 =	sld [smem:$0x3FFD];
	_ =	sdelay $0x3  }
0x97: {  	_ =	strace s4  }
0x98: {  	_ =	strace $0x8FFFFFFF  }
0x99: {  	s19 =	sld [smem:$0x3FDB];
	_ =	sdelay $0x1  }
0x9a: {  	s5 =	simm.s32 $_scs_section_size  }
0x9b: {  	s6 =	simm.s32 $_size__tile_overlayer_lowered;
	s7 =	simm.s32 $_tile_overlayer_lowered  }
0x9c: {  	s22 =	simm.s32 $0x1BFF;
	s21 =	sshll.u32 s7, $0x1;
	s4 =	sadd.s32 s5, s19  }
0x9d: {  	s8 =	simm.s32 $0x0;
	s20 =	sshll.u32 s6, $0x1;
	s6 =	sadd.s32 s21, s4  }
0x9e: {  	[timem:s8], [sflag:s22] =	dma.local [hbm:s6], s20  }
0x9f: {  	_ =	swait.ge [sflag:s22], s20  }
0xa0: {  	s5 =	ssub.s32 $0x0, s20;
	[sflag:s22] =	ssyncset.done $0x0  }
0xa1: {  	[sflag:s22] =	ssyncadd.s32 s5;
	_ =	sdelay $0x1  }
0xa2: {  	s23 =	simm.s32 $0x1B8B  }
0xa3: {  	_ =	swait.ge [sflag:s23], $0x1  }
0xa4: {  	[sflag:s23] =	ssyncset.done $0x0  }
0xa5: {  	s25 =	simm.s32 $0x1B8E;
	s24 =	sld [smem:$0x3FFE];
	[sflag:s23] =	ssyncadd.s32 $0xFFFFFFFF  }
0xa6: {  	s26 =	simm.s32 $execute0_lowered;
	[smem:$0x3FD2] =	sst s25  }
0xa7: {  	s6 =	sshll.u32 s26, $0x1;
	_ =	strace $0x80000046;
	[dreg:$0x1] =	wrdreg $0xFFFFFFFF  }
0xa8: {  	s28 =	simm.s32 $_size_execute0_lowered;
	s4 =	sadd.s32 s4, s6;
	[dreg:$0x0] =	wrdreg $0x0  }
0xa9: {  	s6 =	sshll.u32 s28, $0x1;
	[dreg:$0x2] =	wrdreg s4  }
0xaa: {  	[dreg:$0x3] =	wrdreg s6  }
0xab: {  	[dreg:$0x4] =	wrdreg $0xC0  }
0xac: {  	_ =	task [dreg:s8], $0x5FFFF  }
0xad: {  	[dreg:$0x1] =	wrdreg $0xFFFFFFFF  }
0xae: {  	[dreg:$0x0] =	wrdreg $0x60  }
0xaf: {  	[dreg:$0x2] =	wrdreg s18  }
0xb0: {  	[dreg:$0x3] =	wrdreg s2  }
0xb1: {  	[dreg:$0x4] =	wrdreg s24  }
0xb2: {  	[dreg:$0x5] =	wrdreg $0x9  }
0xb3: {  	_ =	task.clear_ibuf [dreg:s8], $0x6FFFF;
	_ =	strace $0x90000046  }
0xb4: {  	s29 =	simm.s32 $0x9;
	_ =	strace $0x80000048  }
0xb5: {  	_ =	swait.ge [sflag:s29], $0x1  }
0xb6: {  	[sflag:s29] =	ssyncadd.s32 $0xFFFFFFFF  }
0xb7: {  	_ =	strace $0x90000048  }
0xb8: {  	_ =	sfence  }
0xb9: {  	s30 =	sld [smem:$0x0];
	_ =	sdelay $0x2  }
0xba: {  	s31 =	sshll.u32 s1, $0xD;
	s1 =	sshrl.u32 s1, $0x2  }
0xbb: {  	s3 =	sand.u32 $0x4000, s31;
	s1 =	sadd.s32 s1, s30  }
0xbc: {  	s0 =	sor.u32 s3, s0;
	s1 =	sshll.u32 s1, $0x11  }
0xbd: {  	s0 =	sor.u32 s1, s0  }
0xbe: {  	s0 =	sadd.s32 $0x8F2B, s0  }
0xbf: {  	[sflag:s0] =	ssyncadd.remote.s32 $0x1  }
0xc0: {  	_ =	sfence.sel $0xFFFF  }
0xc1: {  	[dreg:$0x0] =	wrdreg $0xFFFFFFFF;
	(pc) =	sbr.abs _section_cstart, $3  }
0xc2: {  	[dreg:$0x1] =	wrdreg $0xFFFFFFFF  }
0xc3: {  	_ =	task.clear_ibuf [dreg:s8], $0x2FFFF;
	_ =	strace $0x9FFFFFFF  }
0xc4: {  	(tm) =	ssettm $0x7FFFFFFF  }
0xc5: {  	_ =	shalt  }
tec
execute0_lowered:
.L_overlay_start_1:
0x0: {  	(tag) =	ssettag $0x1  }
0x1: {  	s1 =	stileid.u32  }
0x2: {  	p0 =	sgt.u32 s1, $0x3  }
.Ltmp0:
0x3: {  	s5 =	rddreg [dreg:$0x0];
	(pc) =	sbr.rel @p0 .LBB2_3-.Ltmp0, $4  }
0x4: {  	s3 =	rddreg [dreg:$0x1]  }
0x5: {  	s4 =	rddreg [dreg:$0x2];
	s2 =	simm.s32 $0x0  }
0x6: {  	[smem:$0x7FF] =	sst s2  }
0x7: {  	s0 =	rddreg [dreg:$0x3];
	_ =	strace $0x80000047  }
0x8: {  	v0 =	vimm.s32 $0xEFCDAB89  }
0x9: {  	v1 =	vimm.s32 $0x67452301;
	v2 =	vimm.s32 $0xDCFE98BA;
	v3 =	vimm.s32 $0x54761032  }
0xa: {  	v4 =	vimm.s32 $0xBA98FEDC;
	v5 =	vimm.s32 $0x32107654;
	v6 =	vimm.s32 $0xFEDCBA98  }
0xb: {  	v7 =	vimm.s32 $0x76543210;
	v0 =	vunpack.c.l.s4.s8 v0;
	v1 =	vunpack.c.l.s4.s8 v1  }
0xc: {  	v2 =	vunpack.c.l.s4.s8 v2;
	v3 =	vunpack.c.l.s4.s8 v3;
	v4 =	vunpack.c.l.s4.s8 v4  }
0xd: {  	s6 =	srdreg.scid;
	v5 =	vunpack.c.l.s4.s8 v5;
	v6 =	vunpack.c.l.s4.s8 v6;
	v7 =	vunpack.c.l.s4.s8 v7  }
0xe: {  	s7 =	sshll.u32 s1, $0x5;
	s9 =	simm.s32 $0x1;
	s6 =	sand.u32 $0x1, s6;
	v0 =	vunpack.c.0.s8.s32 v0;
	v1 =	vunpack.c.0.s8.s32 v1;
	v2 =	vunpack.c.0.s8.s32 v2  }
0xf: {  	s10 =	simm.s32 $0x200;
	s8 =	sshll.u32 s6, $0x4;
	s6 =	ssub.s32 $0x2, s6;
	v3 =	vunpack.c.0.s8.s32 v3;
	v4 =	vunpack.c.0.s8.s32 v4;
	v5 =	vunpack.c.0.s8.s32 v5  }
0x10: {  	s11 =	simm.s32 $0x600;
	s7 =	sor.u32 s8, s7;
	s31 =	sshrl.u32 s6, $0x1;
	v0 =	vcombine.low v1, v0;
	v1 =	vunpack.c.0.s8.s32 v6  }
0x11: {  	s8 =	sand.u32 $0x30, s7;
	s4 =	sadd.s32 s7, s4;
	s6 =	ssub.s32 s6, s31;
	v2 =	vcombine.low v3, v2;
	v3 =	vcombine.low v5, v4;
	v4 =	vunpack.c.0.s8.s32 v7  }
0x12: {  	s5 =	sadd.s32 s5, s7;
	s7 =	simm.s32 $0x80;
	s3 =	sadd.s32 s3, s8;
	v0 =	vand.u32 $0xF, v0;
	v5 =	vand.u32 $0xF, v1  }
0x13: {  	s4 =	sadd.s32 $0xA00, s4;
	s6 =	smax.u32 s6, $0x1;
	s8 =	simm.s32 $0x400;
	v1 =	vand.u32 $0xF, v2;
	v2 =	vand.u32 $0xF, v3;
	v3 =	vcombine.low v5, v4  }
.LBB2_2:
0x14: {  	[tilespmem:s2], [sflag:$0x1] =	stream.strided.gather [hbm4b:s5+s7], $0x200, s8, s7, $0x38;
	[tilespmem:$0x680] =	vst v63  }
0x15: {  	_ =	swait.ge [sflag:s9], $0x200  }
0x16: {  	[sflag:s9] =	ssyncset.done $0x0  }
0x17: {  	[sflag:s9] =	ssyncadd.s32 $0xFFFFFE00  }
0x18: {  	[tilespmem:s10], [sflag:$0x1] =	stream.strided.gather [hbm4b:s3+s7], $0x200, s10, s7, $0x38;
	[tilespmem:$0x680] =	vst v63  }
0x19: {  	_ =	swait.ge [sflag:s9], $0x200  }
0x1a: {  	[sflag:s9] =	ssyncset.done $0x0  }
0x1b: {  	[sflag:s9] =	ssyncadd.s32 $0xFFFFFE00  }
0x1c: {  	v4 =	vld [tilespmem:$0x0]  }
0x1d: {  	v5 =	vld [tilespmem:$0x200]  }
0x1e: {  	v6 =	vld [tilespmem:$0x10]  }
0x1f: {  	v7 =	vld [tilespmem:$0x210]  }
0x20: {  	v8 =	vld [tilespmem:$0x20]  }
0x21: {  	v9 =	vld [tilespmem:$0x220]  }
0x22: {  	v10 =	vld [tilespmem:$0x30]  }
0x23: {  	v11 =	vld [tilespmem:$0x230]  }
0x24: {  	v12 =	vld [tilespmem:$0x40]  }
0x25: {  	v13 =	vld [tilespmem:$0x240]  }
0x26: {  	v14 =	vld [tilespmem:$0x50]  }
0x27: {  	v15 =	vld [tilespmem:$0x250]  }
0x28: {  	v16 =	vld [tilespmem:$0x60]  }
0x29: {  	v17 =	vld [tilespmem:$0x260]  }
0x2a: {  	v18 =	vld [tilespmem:$0x70]  }
0x2b: {  	v19 =	vld [tilespmem:$0x270]  }
0x2c: {  	v20 =	vld [tilespmem:$0x80]  }
0x2d: {  	v21 =	vld [tilespmem:$0x280]  }
0x2e: {  	v22 =	vld [tilespmem:$0x90]  }
0x2f: {  	v23 =	vld [tilespmem:$0x290]  }
0x30: {  	v24 =	vld [tilespmem:$0xA0]  }
0x31: {  	v25 =	vld [tilespmem:$0x2A0]  }
0x32: {  	v26 =	vld [tilespmem:$0xB0]  }
0x33: {  	v27 =	vld [tilespmem:$0x2B0]  }
0x34: {  	v28 =	vld [tilespmem:$0xC0]  }
0x35: {  	v29 =	vld [tilespmem:$0x2C0]  }
0x36: {  	v30 =	vld [tilespmem:$0xD0]  }
0x37: {  	v31 =	vld [tilespmem:$0x2D0]  }
0x38: {  	v32 =	vld [tilespmem:$0xE0]  }
0x39: {  	v33 =	vld [tilespmem:$0x2E0]  }
0x3a: {  	v34 =	vld [tilespmem:$0xF0]  }
0x3b: {  	v35 =	vld [tilespmem:$0x2F0]  }
0x3c: {  	v36 =	vld [tilespmem:$0x100]  }
0x3d: {  	v37 =	vld [tilespmem:$0x300]  }
0x3e: {  	v38 =	vld [tilespmem:$0x110]  }
0x3f: {  	v39 =	vld [tilespmem:$0x310]  }
0x40: {  	v40 =	vld [tilespmem:$0x120]  }
0x41: {  	v63 =	vld [tilespmem:$0x350];
	vm0 =	vgt.s32 v5, $0x0;
	v4 =	vmax.f32 v4, $-1.000000020e+30;
	vm1 =	vgt.s32 v7, $0x0  }
0x42: {  	v42 =	vld [tilespmem:$0x170];
	vm14 =	vgt.s32 v9, $0x0;
	v4 =	vnsel vm0, $0xF149F2CA, v4;
	v6 =	vnsel vm1, $0xF149F2CA, v6  }
0x43: {  	v44 =	vld [tilespmem:$0x370];
	vm15 =	vgt.s32 v11, $0x0;
	v58 =	vnsel vm14, $0xF149F2CA, v8;
	v4 =	vmax.f32 v4, v6  }
0x44: {  	v46 =	vld [tilespmem:$0x180];
	vm4 =	vgt.s32 v13, $0x0;
	v59 =	vnsel vm15, $0xF149F2CA, v10;
	v4 =	vmax.f32 v4, v58  }
0x45: {  	v48 =	vld [tilespmem:$0x380];
	vm5 =	vgt.s32 v15, $0x0;
	v60 =	vnsel vm4, $0xF149F2CA, v12;
	v4 =	vmax.f32 v4, v59  }
0x46: {  	v50 =	vld [tilespmem:$0x190];
	vm6 =	vgt.s32 v17, $0x0;
	v61 =	vnsel vm5, $0xF149F2CA, v14;
	v4 =	vmax.f32 v4, v60  }
0x47: {  	v52 =	vld [tilespmem:$0x390];
	vm7 =	vgt.s32 v19, $0x0;
	v62 =	vnsel vm6, $0xF149F2CA, v16;
	v4 =	vmax.f32 v4, v61  }
0x48: {  	v54 =	vld [tilespmem:$0x1A0];
	vm8 =	vgt.s32 v21, $0x0;
	v19 =	vnsel vm7, $0xF149F2CA, v18;
	v4 =	vmax.f32 v4, v62  }
0x49: {  	v56 =	vld [tilespmem:$0x3A0];
	vm9 =	vgt.s32 v23, $0x0;
	v21 =	vnsel vm8, $0xF149F2CA, v20;
	v4 =	vmax.f32 v4, v19  }
0x4a: {  	v5 =	vld [tilespmem:$0x320];
	vm10 =	vgt.s32 v25, $0x0;
	v41 =	vnsel vm9, $0xF149F2CA, v22;
	v4 =	vmax.f32 v4, v21  }
0x4b: {  	v7 =	vld [tilespmem:$0x130];
	vm11 =	vgt.s32 v27, $0x0;
	v43 =	vnsel vm10, $0xF149F2CA, v24;
	v4 =	vmax.f32 v4, v41  }
0x4c: {  	v9 =	vld [tilespmem:$0x140];
	vm12 =	vgt.s32 v29, $0x0;
	v45 =	vnsel vm11, $0xF149F2CA, v26;
	v4 =	vmax.f32 v4, v43  }
0x4d: {  	v11 =	vld [tilespmem:$0x150];
	vm13 =	vgt.s32 v31, $0x0;
	v47 =	vnsel vm12, $0xF149F2CA, v28;
	v4 =	vmax.f32 v4, v45  }
0x4e: {  	v8 =	vld [tilespmem:$0x330];
	v49 =	vnsel vm13, $0xF149F2CA, v30;
	vm14 =	vgt.s32 v33, $0x0;
	v4 =	vmax.f32 v4, v47  }
0x4f: {  	v10 =	vld [tilespmem:$0x340];
	vm15 =	vgt.s32 v35, $0x0;
	v51 =	vnsel vm14, $0xF149F2CA, v32;
	v4 =	vmax.f32 v4, v49  }
0x50: {  	v13 =	vld [tilespmem:$0x160];
	vm4 =	vgt.s32 v37, $0x0;
	v53 =	vnsel vm15, $0xF149F2CA, v34;
	v4 =	vmax.f32 v4, v51  }
0x51: {  	v14 =	vld [tilespmem:$0x360];
	vm5 =	vgt.s32 v39, $0x0;
	v55 =	vnsel vm4, $0xF149F2CA, v36;
	v4 =	vmax.f32 v4, v53  }
0x52: {  	v23 =	vld [tilespmem:$0x1D0];
	v57 =	vnsel vm5, $0xF149F2CA, v38;
	vm6 =	vgt.s32 v5, $0x0;
	v4 =	vmax.f32 v4, v55  }
0x53: {  	v25 =	vld [tilespmem:$0x3D0];
	v58 =	vnsel vm6, $0xF149F2CA, v40;
	vm7 =	vgt.s32 v8, $0x0;
	v4 =	vmax.f32 v4, v57  }
0x54: {  	v27 =	vld [tilespmem:$0x1E0];
	vm8 =	vgt.s32 v10, $0x0;
	v60 =	vnsel vm7, $0xF149F2CA, v7;
	v4 =	vmax.f32 v4, v58  }
0x55: {  	vm9 =	vgt.s32 v63, $0x0;
	v63 =	vld [tilespmem:$0x3C0];
	v62 =	vnsel vm8, $0xF149F2CA, v9;
	v4 =	vmax.f32 v4, v60  }
0x56: {  	v59 =	vld [tilespmem:$0x3B0];
	v12 =	vnsel vm9, $0xF149F2CA, v11;
	vm10 =	vgt.s32 v14, $0x0;
	v4 =	vmax.f32 v4, v62  }
0x57: {  	vm11 =	vgt.s32 v44, $0x0;
	v5 =	vld [tilespmem:$0x1B0];
	v24 =	vnsel vm10, $0xF149F2CA, v13;
	v4 =	vmax.f32 v4, v12  }
0x58: {  	vm12 =	vgt.s32 v48, $0x0;
	v26 =	vnsel vm11, $0xF149F2CA, v42;
	v61 =	vld [tilespmem:$0x1C0];
	v4 =	vmax.f32 v4, v24  }
0x59: {  	v29 =	vld [tilespmem:$0x3E0];
	vm13 =	vgt.s32 v52, $0x0;
	v28 =	vnsel vm12, $0xF149F2CA, v46;
	v4 =	vmax.f32 v4, v26  }
0x5a: {  	v31 =	vld [tilespmem:$0x3F0];
	v30 =	vnsel vm13, $0xF149F2CA, v50;
	vm14 =	vgt.s32 v56, $0x0;
	v4 =	vmax.f32 v4, v28  }
0x5b: {  	v33 =	vld [tilespmem:$0x1F0];
	v32 =	vnsel vm14, $0xF149F2CA, v54;
	vm15 =	vgt.s32 v59, $0x0;
	v4 =	vmax.f32 v4, v30  }
0x5c: {  	vm4 =	vgt.s32 v63, $0x0;
	v5 =	vnsel vm15, $0xF149F2CA, v5;
	v4 =	vmax.f32 v4, v32  }
0x5d: {  	vm5 =	vgt.s32 v25, $0x0;
	v4 =	vmax.f32 v4, v5;
	v5 =	vnsel vm4, $0xF149F2CA, v61  }
0x5e: {  	vm6 =	vgt.s32 v29, $0x0;
	v4 =	vmax.f32 v4, v5;
	v5 =	vnsel vm5, $0xF149F2CA, v23  }
0x5f: {  	vm7 =	vgt.s32 v31, $0x0;
	v4 =	vmax.f32 v4, v5;
	v5 =	vnsel vm6, $0xF149F2CA, v27  }
0x60: {  	v4 =	vmax.f32 v4, v5;
	v5 =	vnsel vm7, $0xF149F2CA, v33  }
0x61: {  	v4 =	vmax.f32 v4, v5  }
0x62: {  	[tilespmem:$0x600] =	vst v4  }
0x63: {  	v5 =	vld.idx.msk [tilespmem:v0+s11+$0x0], $0xffff;
	_ =	sdelay $0x4  }
0x64: {  	v4 =	vmax.f32 v4, v5  }
0x65: {  	[tilespmem:$0x600] =	vst v4  }
0x66: {  	v5 =	vld.idx.msk [tilespmem:v1+s11+$0x0], $0xffff;
	_ =	sdelay $0x4  }
0x67: {  	v4 =	vmax.f32 v4, v5  }
0x68: {  	[tilespmem:$0x600] =	vst v4  }
0x69: {  	v5 =	vld.idx.msk [tilespmem:v2+s11+$0x0], $0xffff;
	_ =	sdelay $0x4  }
0x6a: {  	v4 =	vmax.f32 v4, v5  }
0x6b: {  	[tilespmem:$0x600] =	vst v4  }
0x6c: {  	v5 =	vld.idx.msk [tilespmem:v3+s11+$0x0], $0xffff  }
0x6d: {  	v34 =	vld [tilespmem:$0x0];
	_ =	sdelay $0x1  }
0x6e: {  	v35 =	vld [tilespmem:$0x10];
	_ =	sdelay $0x1  }
0x6f: {  	v4 =	vmax.f32 v4, v5  }
0x70: {  	v5 =	vsub.f32 v34, v4  }
0x71: {  	v36 =	vld [tilespmem:$0x20]  }
0x72: {  	v7 =	vsub.f32 v35, v4;
	v5 =	vmul.f32 $1.442695020e+00, v5  }
0x73: {  	v37 =	vld [tilespmem:$0x30]  }
0x74: {  	(erf) = vpow2.f32 v5;
	v5 =	vmul.f32 $1.442695020e+00, v7  }
0x75: {  	v38 =	vld [tilespmem:$0x40]  }
0x76: {  	(erf) = vpow2.f32 v5;
	v5 =	vsub.f32 v36, v4  }
0x77: {  	v40 =	vld [tilespmem:$0x50]  }
0x78: {  	v41 =	vld [tilespmem:$0x60];
	v8 =	vsub.f32 v37, v4;
	v5 =	vmul.f32 $1.442695020e+00, v5  }
0x79: {  	v39 =	vld [tilespmem:$0x200]  }
0x7a: {  	v43 =	vld [tilespmem:$0x70];
	v7 =	vsub.f32 v38, v4;
	(erf) = vpow2.f32 v5;
	v5 =	vmul.f32 $1.442695020e+00, v8  }
0x7b: {  	v44 =	vld [tilespmem:$0x80]  }
0x7c: {  	v42 =	vld [tilespmem:$0x210];
	v6 =	vsub.f32 v40, v4;
	v7 =	vmul.f32 $1.442695020e+00, v7;
	(erf) = vpow2.f32 v5  }
0x7d: {  	v49 =	vld [tilespmem:$0x90];
	v45 =	vsub.f32 v41, v4  }
0x7e: {  	v52 =	vld [tilespmem:$0x240];
	v47 =	vmul.f32 $1.442695020e+00, v6;
	v5 =	vpop (erf);
	(erf) = vpow2.f32 v7  }
0x7f: {  	v46 =	vld [tilespmem:$0x220];
	v9 =	vmul.f32 $1.442695020e+00, v45;
	v8 =	vsub.f32 v43, v4  }
0x80: {  	v56 =	vld [tilespmem:$0xA0];
	vm8 =	vgt.s32 v39, $0x0;
	v54 =	vsub.f32 v44, v4;
	v48 =	vpop (erf);
	(erf) = vpow2.f32 v47  }
0x81: {  	v51 =	vld [tilespmem:$0x230];
	v53 =	vmul.f32 $1.442695020e+00, v8;
	v5 =	vnsel vm8, $0x0, v5;
	(erf) = vpow2.f32 v9  }
0x82: {  	v22 =	vld [tilespmem:$0xC0];
	vm9 =	vgt.s32 v42, $0x0;
	v11 =	vsub.f32 v49, v4;
	v50 =	vadd.f32 $0.0e+00, v5  }
0x83: {  	v61 =	vld [tilespmem:$0xB0];
	v8 =	vmul.f32 $1.442695020e+00, v54;
	v6 =	vnsel vm9, $0x0, v48;
	v57 =	vpop (erf);
	(erf) = vpow2.f32 v53  }
0x84: {  	vm10 =	vgt.s32 v46, $0x0;
	v58 =	vld [tilespmem:$0x250];
	v55 =	vadd.f32 v6, v50  }
0x85: {  	v25 =	vld [tilespmem:$0xD0];
	v11 =	vmul.f32 $1.442695020e+00, v11;
	v7 =	vnsel vm10, $0x0, v57;
	v60 =	vpop (erf);
	(erf) = vpow2.f32 v8  }
0x86: {  	v59 =	vld [tilespmem:$0x260];
	vm11 =	vgt.s32 v51, $0x0;
	v12 =	vsub.f32 v56, v4;
	v9 =	vadd.f32 v7, v55  }
0x87: {  	vm12 =	vgt.s32 v52, $0x0;
	v29 =	vld [tilespmem:$0x290];
	v8 =	vnsel vm11, $0x0, v60;
	v21 =	vpop (erf);
	(erf) = vpow2.f32 v11  }
0x88: {  	v62 =	vld [tilespmem:$0x270];
	v16 =	vsub.f32 v61, v4;
	v12 =	vmul.f32 $1.442695020e+00, v12;
	v63 =	vadd.f32 v8, v9  }
0x89: {  	v31 =	vld [tilespmem:$0x2A0];
	vm13 =	vgt.s32 v58, $0x0;
	v15 =	vsub.f32 v22, v4;
	v9 =	vnsel vm12, $0x0, v21;
	v24 =	vpop (erf)  }
0x8a: {  	v27 =	vld [tilespmem:$0xE0];
	v16 =	vmul.f32 $1.442695020e+00, v16;
	v17 =	vadd.f32 v9, v63;
	v26 =	vpop (erf);
	(erf) = vpow2.f32 v12  }
0x8b: {  	vm14 =	vgt.s32 v59, $0x0;
	v23 =	vld [tilespmem:$0x280];
	v32 =	vsub.f32 v25, v4;
	v11 =	vnsel vm13, $0x0, v24  }
0x8c: {  	v33 =	vld [tilespmem:$0xF0];
	v15 =	vmul.f32 $1.442695020e+00, v15;
	v17 =	vadd.f32 v11, v17;
	v28 =	vpop (erf);
	(erf) = vpow2.f32 v16  }
0x8d: {  	vm15 =	vgt.s32 v62, $0x0;
	v36 =	vld [tilespmem:$0x100];
	v10 =	vnsel vm14, $0x0, v26  }
0x8e: {  	v51 =	vld [tilespmem:$0x150];
	v34 =	vmul.f32 $1.442695020e+00, v32;
	v17 =	vadd.f32 v10, v17;
	v30 =	vpop (erf);
	(erf) = vpow2.f32 v15  }
0x8f: {  	vm5 =	vgt.s32 v29, $0x0;
	v35 =	vsub.f32 v27, v4;
	v40 =	vld [tilespmem:$0x110];
	v12 =	vnsel vm15, $0x0, v28  }
0x90: {  	vm4 =	vgt.s32 v23, $0x0;
	v44 =	vld [tilespmem:$0x120];
	v17 =	vadd.f32 v12, v17;
	v37 =	vpop (erf);
	(erf) = vpow2.f32 v34  }
0x91: {  	v39 =	vmul.f32 $1.442695020e+00, v35;
	v38 =	vld [tilespmem:$0x2B0];
	v43 =	vsub.f32 v33, v4;
	v13 =	vnsel vm4, $0x0, v30  }
0x92: {  	v46 =	vld [tilespmem:$0x130];
	vm6 =	vgt.s32 v31, $0x0;
	v19 =	vsub.f32 v36, v4;
	v17 =	vadd.f32 v13, v17  }
0x93: {  	v41 =	vld [tilespmem:$0x2C0];
	v15 =	vmul.f32 $1.442695020e+00, v43;
	v14 =	vnsel vm5, $0x0, v37;
	v42 =	vpop (erf);
	(erf) = vpow2.f32 v39  }
0x94: {  	v49 =	vld [tilespmem:$0x140];
	v61 =	vsub.f32 v51, v4;
	v19 =	vmul.f32 $1.442695020e+00, v19;
	v17 =	vadd.f32 v14, v17  }
0x95: {  	v45 =	vld [tilespmem:$0x2D0];
	v16 =	vsub.f32 v40, v4;
	v20 =	vnsel vm6, $0x0, v42;
	v47 =	vpop (erf);
	(erf) = vpow2.f32 v15  }
0x96: {  	v18 =	vsub.f32 v44, v4;
	vm7 =	vgt.s32 v38, $0x0;
	v17 =	vadd.f32 v20, v17  }
0x97: {  	v48 =	vld [tilespmem:$0x2E0];
	v16 =	vmul.f32 $1.442695020e+00, v16;
	v21 =	vnsel vm7, $0x0, v47;
	v50 =	vpop (erf);
	(erf) = vpow2.f32 v19  }
0x98: {  	v54 =	vmul.f32 $1.442695020e+00, v18;
	vm8 =	vgt.s32 v41, $0x0;
	v53 =	vld [tilespmem:$0x2F0];
	v17 =	vadd.f32 v21, v17  }
0x99: {  	v59 =	vld [tilespmem:$0x160];
	v55 =	vsub.f32 v46, v4;
	v19 =	vnsel vm8, $0x0, v50;
	v52 =	vpop (erf);
	(erf) = vpow2.f32 v16  }
0x9a: {  	v62 =	vld [tilespmem:$0x170];
	vm9 =	vgt.s32 v45, $0x0;
	v15 =	vsub.f32 v49, v4;
	v17 =	vadd.f32 v19, v17  }
0x9b: {  	v56 =	vld [tilespmem:$0x300];
	v58 =	vmul.f32 $1.442695020e+00, v55;
	v23 =	vnsel vm9, $0x0, v52;
	(erf) = vpow2.f32 v54  }
0x9c: {  	v35 =	vld [tilespmem:$0x180];
	vm10 =	vgt.s32 v48, $0x0;
	v15 =	vmul.f32 $1.442695020e+00, v15;
	v57 =	vpop (erf);
	v17 =	vadd.f32 v23, v17  }
0x9d: {  	v60 =	vld [tilespmem:$0x310];
	vm11 =	vgt.s32 v53, $0x0;
	(erf) = vpow2.f32 v58;
	v25 =	vnsel vm10, $0x0, v57  }
0x9e: {  	v38 =	vld [tilespmem:$0x190];
	v34 =	vmul.f32 $1.442695020e+00, v61;
	v17 =	vadd.f32 v25, v17;
	v33 =	vpop (erf);
	(erf) = vpow2.f32 v15  }
0x9f: {  	v18 =	vsub.f32 v59, v4;
	v63 =	vld [tilespmem:$0x320];
	v26 =	vnsel vm11, $0x0, v33  }
0xa0: {  	vm12 =	vgt.s32 v56, $0x0;
	v37 =	vld [tilespmem:$0x330];
	v36 =	vpop (erf);
	v17 =	vadd.f32 v26, v17;
	(erf) = vpow2.f32 v34  }
0xa1: {  	v22 =	vsub.f32 v62, v4;
	v18 =	vmul.f32 $1.442695020e+00, v18;
	v42 =	vld [tilespmem:$0x1A0];
	v24 =	vnsel vm12, $0x0, v36  }
0xa2: {  	[tilespmem:$0x400] =	vst v5;
	v45 =	vld [tilespmem:$0x1B0];
	vm13 =	vgt.s32 v60, $0x0;
	v16 =	vsub.f32 v35, v4;
	v39 =	vpop (erf);
	v5 =	vadd.f32 v24, v17  }
0xa3: {  	v22 =	vmul.f32 $1.442695020e+00, v22;
	[tilespmem:$0x410] =	vst v6;
	v40 =	vld [tilespmem:$0x340];
	(erf) = vpow2.f32 v18;
	v41 =	vnsel vm13, $0x0, v39  }
0xa4: {  	v51 =	vld [tilespmem:$0x1D0];
	[tilespmem:$0x420] =	vst v7;
	vm14 =	vgt.s32 v63, $0x0;
	v16 =	vmul.f32 $1.442695020e+00, v16;
	v43 =	vpop (erf);
	v5 =	vadd.f32 v41, v5  }
0xa5: {  	v44 =	vld [tilespmem:$0x350];
	[tilespmem:$0x430] =	vst v8;
	v15 =	vsub.f32 v38, v4;
	(erf) = vpow2.f32 v22;
	v6 =	vnsel vm14, $0x0, v43  }
0xa6: {  	v48 =	vld [tilespmem:$0x1C0];
	[tilespmem:$0x440] =	vst v9;
	vm15 =	vgt.s32 v37, $0x0;
	v50 =	vsub.f32 v42, v4;
	v46 =	vpop (erf);
	v5 =	vadd.f32 v6, v5  }
0xa7: {  	[tilespmem:$0x450] =	vst v11;
	v47 =	vld [tilespmem:$0x360];
	v15 =	vmul.f32 $1.442695020e+00, v15;
	v8 =	vnsel vm15, $0x0, v46;
	v49 =	vpop (erf);
	(erf) = vpow2.f32 v16  }
0xa8: {  	v7 =	vsub.f32 v45, v4;
	v56 =	vld [tilespmem:$0x1E0];
	[tilespmem:$0x460] =	vst v10;
	vm4 =	vgt.s32 v40, $0x0;
	v5 =	vadd.f32 v8, v5  }
0xa9: {  	[tilespmem:$0x470] =	vst v12;
	v54 =	vld [tilespmem:$0x370];
	v55 =	vmul.f32 $1.442695020e+00, v50;
	v52 =	vnsel vm4, $0x0, v49;
	v53 =	vpop (erf);
	(erf) = vpow2.f32 v15  }
0xaa: {  	v7 =	vmul.f32 $1.442695020e+00, v7;
	v60 =	vld [tilespmem:$0x1F0];
	[tilespmem:$0x480] =	vst v13;
	vm5 =	vgt.s32 v44, $0x0;
	v5 =	vadd.f32 v52, v5  }
0xab: {  	v9 =	vsub.f32 v48, v4;
	[tilespmem:$0x490] =	vst v14;
	v57 =	vld [tilespmem:$0x380];
	v11 =	vnsel vm5, $0x0, v53;
	(erf) = vpow2.f32 v55  }
0xac: {  	v59 =	vsub.f32 v51, v4;
	[tilespmem:$0x4A0] =	vst v20;
	vm6 =	vgt.s32 v47, $0x0;
	v58 =	vpop (erf);
	v5 =	vadd.f32 v11, v5  }
0xad: {  	v9 =	vmul.f32 $1.442695020e+00, v9;
	v61 =	vld [tilespmem:$0x390];
	[tilespmem:$0x4B0] =	vst v21;
	(erf) = vpow2.f32 v7;
	v15 =	vnsel vm6, $0x0, v58  }
0xae: {  	v13 =	vsub.f32 v56, v4;
	[tilespmem:$0x4C0] =	vst v19;
	vm7 =	vgt.s32 v54, $0x0;
	v62 =	vpop (erf);
	v5 =	vadd.f32 v15, v5  }
0xaf: {  	v63 =	vld [tilespmem:$0x3A0];
	[tilespmem:$0x4D0] =	vst v23;
	v16 =	vmul.f32 $1.442695020e+00, v59;
	(erf) = vpow2.f32 v9;
	v12 =	vnsel vm7, $0x0, v62  }
0xb0: {  	[tilespmem:$0x4E0] =	vst v25;
	v4 =	vsub.f32 v60, v4;
	vm8 =	vgt.s32 v57, $0x0;
	v20 =	vpop (erf);
	v5 =	vadd.f32 v12, v5  }
0xb1: {  	v13 =	vmul.f32 $1.442695020e+00, v13;
	v21 =	vld [tilespmem:$0x3B0];
	[tilespmem:$0x4F0] =	vst v26;
	(erf) = vpow2.f32 v16;
	v14 =	vnsel vm8, $0x0, v20  }
0xb2: {  	vm9 =	vgt.s32 v61, $0x0;
	v4 =	vmul.f32 $1.442695020e+00, v4;
	[tilespmem:$0x500] =	vst v24;
	v5 =	vadd.f32 v14, v5;
	v22 =	vpop (erf)  }
0xb3: {  	v23 =	vld [tilespmem:$0x3C0];
	[tilespmem:$0x510] =	vst v41;
	(erf) = vpow2.f32 v13;
	v7 =	vnsel vm9, $0x0, v22  }
0xb4: {  	vm10 =	vgt.s32 v63, $0x0;
	[tilespmem:$0x520] =	vst v6;
	v24 =	vpop (erf);
	v5 =	vadd.f32 v7, v5  }
0xb5: {  	v25 =	vld [tilespmem:$0x3D0];
	[tilespmem:$0x530] =	vst v8;
	(erf) = vpow2.f32 v4;
	v6 =	vnsel vm10, $0x0, v24  }
0xb6: {  	vm11 =	vgt.s32 v21, $0x0;
	[tilespmem:$0x540] =	vst v52;
	v4 =	vpop (erf);
	v5 =	vadd.f32 v6, v5  }
0xb7: {  	v26 =	vld [tilespmem:$0x3E0];
	[tilespmem:$0x550] =	vst v11;
	v4 =	vnsel vm11, $0x0, v4  }
0xb8: {  	vm12 =	vgt.s32 v23, $0x0;
	[tilespmem:$0x560] =	vst v15;
	v27 =	vpop (erf);
	v5 =	vadd.f32 v4, v5  }
0xb9: {  	v28 =	vld [tilespmem:$0x3F0];
	[tilespmem:$0x570] =	vst v12;
	v10 =	vnsel vm12, $0x0, v27  }
0xba: {  	vm13 =	vgt.s32 v25, $0x0;
	[tilespmem:$0x580] =	vst v14;
	v29 =	vpop (erf);
	v5 =	vadd.f32 v10, v5  }
0xbb: {  	[tilespmem:$0x590] =	vst v7;
	v30 =	vnsel vm13, $0x0, v29  }
0xbc: {  	vm14 =	vgt.s32 v26, $0x0;
	[tilespmem:$0x5A0] =	vst v6;
	v31 =	vpop (erf);
	v5 =	vadd.f32 v30, v5  }
0xbd: {  	[tilespmem:$0x5B0] =	vst v4;
	v4 =	vnsel vm14, $0x0, v31  }
0xbe: {  	vm15 =	vgt.s32 v28, $0x0;
	[tilespmem:$0x5C0] =	vst v10;
	v32 =	vpop (erf);
	v5 =	vadd.f32 v4, v5  }
0xbf: {  	[tilespmem:$0x5D0] =	vst v30;
	v6 =	vnsel vm15, $0x0, v32  }
0xc0: {  	[tilespmem:$0x5E0] =	vst v4;
	v4 =	vadd.f32 v6, v5  }
0xc1: {  	[tilespmem:$0x5F0] =	vst v6  }
0xc2: {  	[tilespmem:$0x600] =	vst v4  }
0xc3: {  	v5 =	vld.idx.msk [tilespmem:v0+s11+$0x0], $0xffff;
	_ =	sdelay $0x4  }
0xc4: {  	v4 =	vadd.f32 v4, v5;
	_ =	sdelay $0x1  }
0xc5: {  	[tilespmem:$0x600] =	vst v4  }
0xc6: {  	v5 =	vld.idx.msk [tilespmem:v1+s11+$0x0], $0xffff;
	_ =	sdelay $0x4  }
0xc7: {  	v4 =	vadd.f32 v5, v4;
	_ =	sdelay $0x1  }
0xc8: {  	[tilespmem:$0x600] =	vst v4  }
0xc9: {  	v5 =	vld.idx.msk [tilespmem:v2+s11+$0x0], $0xffff;
	_ =	sdelay $0x4  }
0xca: {  	v4 =	vadd.f32 v5, v4;
	_ =	sdelay $0x1  }
0xcb: {  	[tilespmem:$0x600] =	vst v4  }
0xcc: {  	v5 =	vld.idx.msk [tilespmem:v3+s11+$0x0], $0xffff;
	_ =	sdelay $0x4  }
0xcd: {  	v4 =	vadd.f32 v5, v4;
	_ =	sdelay $0x1  }
0xce: {  	v4 =	vmax.f32 v4, $1.000000000e-30  }
0xcf: {  	(erf) = vrcp.f32 v4;
	_ =	sdelay $0x4  }
0xd0: {  	v4 =	vld [tilespmem:$0x400]  }
0xd1: {  	v5 =	vld [tilespmem:$0x410]  }
0xd2: {  	v33 =	vld [tilespmem:$0x420]  }
0xd3: {  	v34 =	vld [tilespmem:$0x430]  }
0xd4: {  	v36 =	vld [tilespmem:$0x440];
	v35 =	vpop (erf)  }
0xd5: {  	v37 =	vld [tilespmem:$0x450];
	v4 =	vmul.f32 v35, v4  }
0xd6: {  	v38 =	vld [tilespmem:$0x460];
	v5 =	vmul.f32 v35, v5  }
0xd7: {  	v39 =	vld [tilespmem:$0x470];
	[tilespmem:$0x400] =	vst v4;
	v4 =	vmul.f32 v33, v35  }
0xd8: {  	v40 =	vld [tilespmem:$0x480];
	[tilespmem:$0x410] =	vst v5;
	v5 =	vmul.f32 v34, v35  }
0xd9: {  	v41 =	vld [tilespmem:$0x490];
	[tilespmem:$0x420] =	vst v4;
	v4 =	vmul.f32 v36, v35  }
0xda: {  	v42 =	vld [tilespmem:$0x4A0];
	[tilespmem:$0x430] =	vst v5;
	v5 =	vmul.f32 v37, v35  }
0xdb: {  	v43 =	vld [tilespmem:$0x4B0];
	[tilespmem:$0x440] =	vst v4;
	v4 =	vmul.f32 v38, v35  }
0xdc: {  	v44 =	vld [tilespmem:$0x4C0];
	[tilespmem:$0x450] =	vst v5;
	v5 =	vmul.f32 v39, v35  }
0xdd: {  	v45 =	vld [tilespmem:$0x4D0];
	[tilespmem:$0x460] =	vst v4;
	v4 =	vmul.f32 v40, v35  }
0xde: {  	v46 =	vld [tilespmem:$0x4E0];
	[tilespmem:$0x470] =	vst v5;
	v5 =	vmul.f32 v41, v35  }
0xdf: {  	v47 =	vld [tilespmem:$0x4F0];
	[tilespmem:$0x480] =	vst v4;
	v4 =	vmul.f32 v42, v35  }
0xe0: {  	v48 =	vld [tilespmem:$0x500];
	[tilespmem:$0x490] =	vst v5;
	v5 =	vmul.f32 v43, v35  }
0xe1: {  	v49 =	vld [tilespmem:$0x510];
	[tilespmem:$0x4A0] =	vst v4;
	v4 =	vmul.f32 v44, v35  }
0xe2: {  	v50 =	vld [tilespmem:$0x520];
	[tilespmem:$0x4B0] =	vst v5;
	v5 =	vmul.f32 v45, v35  }
0xe3: {  	v51 =	vld [tilespmem:$0x530];
	[tilespmem:$0x4C0] =	vst v4;
	v4 =	vmul.f32 v46, v35  }
0xe4: {  	v52 =	vld [tilespmem:$0x540];
	[tilespmem:$0x4D0] =	vst v5;
	v5 =	vmul.f32 v47, v35  }
0xe5: {  	v53 =	vld [tilespmem:$0x550];
	[tilespmem:$0x4E0] =	vst v4;
	v4 =	vmul.f32 v48, v35  }
0xe6: {  	v54 =	vld [tilespmem:$0x560];
	[tilespmem:$0x4F0] =	vst v5;
	v5 =	vmul.f32 v49, v35  }
0xe7: {  	v55 =	vld [tilespmem:$0x570];
	[tilespmem:$0x500] =	vst v4;
	v4 =	vmul.f32 v50, v35  }
0xe8: {  	v56 =	vld [tilespmem:$0x580];
	[tilespmem:$0x510] =	vst v5;
	v5 =	vmul.f32 v51, v35  }
0xe9: {  	v57 =	vld [tilespmem:$0x590];
	[tilespmem:$0x520] =	vst v4;
	v4 =	vmul.f32 v52, v35  }
0xea: {  	v58 =	vld [tilespmem:$0x5A0];
	[tilespmem:$0x530] =	vst v5;
	v5 =	vmul.f32 v53, v35  }
0xeb: {  	v59 =	vld [tilespmem:$0x5B0];
	[tilespmem:$0x540] =	vst v4;
	v4 =	vmul.f32 v54, v35  }
0xec: {  	v60 =	vld [tilespmem:$0x5C0];
	[tilespmem:$0x550] =	vst v5;
	v5 =	vmul.f32 v55, v35  }
0xed: {  	v61 =	vld [tilespmem:$0x5D0];
	[tilespmem:$0x560] =	vst v4;
	v4 =	vmul.f32 v56, v35  }
0xee: {  	v62 =	vld [tilespmem:$0x5E0];
	[tilespmem:$0x570] =	vst v5;
	v5 =	vmul.f32 v57, v35  }
0xef: {  	v63 =	vld [tilespmem:$0x5F0];
	[tilespmem:$0x580] =	vst v4;
	v4 =	vmul.f32 v58, v35  }
0xf0: {  	[tilespmem:$0x590] =	vst v5;
	v5 =	vmul.f32 v59, v35  }
0xf1: {  	[tilespmem:$0x5A0] =	vst v4;
	v4 =	vmul.f32 v60, v35  }
0xf2: {  	[tilespmem:$0x5B0] =	vst v5;
	v5 =	vmul.f32 v61, v35  }
0xf3: {  	[tilespmem:$0x5C0] =	vst v4;
	v4 =	vmul.f32 v62, v35  }
0xf4: {  	[tilespmem:$0x5D0] =	vst v5;
	v5 =	vmul.f32 v63, v35  }
0xf5: {  	p0 =	sne.s32 s6, $0x1;
	[tilespmem:$0x5E0] =	vst v4  }
.Ltmp1:
0xf6: {  	[tilespmem:$0x5F0] =	vst v5;
	(pc) =	sbr.rel @p0 .LBB2_2-.Ltmp1, $4  }
0xf7: {  	[hbm4b:s4+s7] =	stream.strided.scatter [tilespmem:s8], [sflag:$0x1], $0x200, s8, s7, $0x38;
	[tilespmem:$0x680] =	vst v63  }
0xf8: {  	_ =	swait.ge [sflag:s9], $0x200  }
0xf9: {  	[sflag:s9] =	ssyncset.done $0x0  }
0xfa: {  	s6 =	sadd.s32 $0xFFFFFFFF, s6;
	[sflag:s9] =	ssyncadd.s32 $0xFFFFFE00  }
.LBB2_3:
0xfb: {  	_ =	sfence.sel $0x180000  }
0xfc: {  	[bflag:$0x0] =	sbarrier.arrive $0xFFFF  }
0xfd: {  	p0 =	sne.s32 s1, $0x0;
	_ =	strace $0x90000047  }
0xfe: {  	s0 =	sadd.s32 @!p0 $0x100000, s0;
	[bflag:$0x2] =	sbarrier.arrive $0xFFFF  }
0xff: {  	[sflag:s0] =	ssyncadd.tile.s32 @!p0 $0x1;
	_ =	shalt  }
.Lfunc_end2:
_tile_overlayer_lowered:
.L_overlay_start_2:
0x100: {  	(tag) =	ssettag $0x2  }
0x101: {  	s0 =	rddreg [dreg:$0x0];
	s2 =	stileid.u32  }
0x102: {  	s1 =	rddreg [dreg:$0x1];
	p0 =	sne.s32 s2, $0x0  }
0x103: {  	s3 =	rddreg [dreg:$0x2];
	[bflag:$0x3] =	sbarrier.arrive $0xFFFF;
	s2 =	simm.s32 @!p0 $0x1C01  }
0x104: {  	[timem:s3], [sflag:s2] =	dma.local @!p0 [hbm:s0], s1  }
0x105: {  	s0 =	simm.s32 @!p0 $0x1  }
0x106: {  	_ =	swait.ge @!p0 [sflag:s0], s1  }
0x107: {  	s1 =	ssub.s32 @!p0 $0x0, s1;
	[sflag:s0] =	ssyncset.done @!p0 $0x0  }
0x108: {  	[sflag:s0] =	ssyncadd.s32 @!p0 s1  }
0x109: {  	[bflag:$0x3] =	sbarrier.arrive $0xFFFF  }
0x10a: {  	_ =	shalt  }

</sc_bundles>
